<compile_context>
chip_gen: v7x
topology: tpu7x:2x2x1
jax: 0.10.2.dev20260603
libtpu: 0.0.44.dev20260713+nightly
codegen_flags: <defaults>
</compile_context>

<pallas_src>
import jax
import jax.numpy as jnp
from jax import lax
from jax.experimental import pallas as pl
from jax.experimental.pallas import tpu as pltpu
from jax.experimental.pallas import tpu_sc as plsc

_N = 4096
_D = 768
_H = 512
_E = 64
_B = 128
_G = 128
_P = _G * _B
_TB = 512
_RB = 2048
_MB = 2048
_NW = 32
_TPW = _N // _NW


_D2 = _D // 2


def _pack_bf16(a):
    ar = a.astype(jnp.bfloat16).astype(jnp.float32)
    bits = lax.bitcast_convert_type(ar, jnp.uint32)
    hi = bits[:, :_D2] & jnp.uint32(0xFFFF0000)
    lo = jnp.right_shift(bits[:, _D2:], jnp.uint32(16))
    return lax.bitcast_convert_type(hi | lo, jnp.int32)


def _unpack_bf16(p):
    pu = lax.bitcast_convert_type(p, jnp.uint32)
    hi = lax.bitcast_convert_type(pu & jnp.uint32(0xFFFF0000), jnp.float32)
    lo = lax.bitcast_convert_type(jnp.left_shift(pu, jnp.uint32(16)),
                                  jnp.float32)
    return jnp.concatenate([hi, lo], axis=1)


def _router_body(x_ref, rw_ref, rb_ref, ids0_ref, ids1_ref, w0_ref, w1_ref,
                 xbf_ref):
    xb = x_ref[...]
    xbf_ref[...] = _pack_bf16(xb)
    logits = lax.dot_general(xb, rw_ref[...], (((1,), (1,)), ((), ())),
                             preferred_element_type=jnp.float32)
    logits = logits + rb_ref[...][None, :]

    iota_e = lax.broadcasted_iota(jnp.int32, (_RB, _E), 1)
    m1 = jnp.max(logits, axis=1, keepdims=True)
    a1 = jnp.min(jnp.where(logits == m1, iota_e, _E), axis=1)
    masked = jnp.where(iota_e == a1[:, None], -jnp.inf, logits)
    m2 = jnp.max(masked, axis=1, keepdims=True)
    a2 = jnp.min(jnp.where(masked == m2, iota_e, _E), axis=1)

    w0 = jax.nn.sigmoid(m1[:, 0] - m2[:, 0])
    ids0_ref[...] = a1.astype(jnp.int32)
    ids1_ref[...] = a2.astype(jnp.int32)
    w0_ref[...] = w0
    w1_ref[...] = 1.0 - w0


def _router(x_flat, router_w, expert_bias):
    grid = (_N // _RB,)
    return pl.pallas_call(
        _router_body,
        grid=grid,
        in_specs=[
            pl.BlockSpec((_RB, _D), lambda i: (i, 0)),
            pl.BlockSpec((_E, _D), lambda i: (0, 0)),
            pl.BlockSpec((_E,), lambda i: (0,)),
        ],
        out_specs=[
            pl.BlockSpec((_RB,), lambda i: (i,)),
            pl.BlockSpec((_RB,), lambda i: (i,)),
            pl.BlockSpec((_RB,), lambda i: (i,)),
            pl.BlockSpec((_RB,), lambda i: (i,)),
            pl.BlockSpec((_RB, _D2), lambda i: (i, 0)),
        ],
        out_shape=[
            jax.ShapeDtypeStruct((_N,), jnp.int32),
            jax.ShapeDtypeStruct((_N,), jnp.int32),
            jax.ShapeDtypeStruct((_N,), jnp.float32),
            jax.ShapeDtypeStruct((_N,), jnp.float32),
            jax.ShapeDtypeStruct((_N, _D2), jnp.int32),
        ],
    )(x_flat, router_w, expert_bias)


def _shared_body(x_ref, sw1_ref, sw2_ref, sw3_ref, sh_ref):
    xbh = x_ref[...].astype(jnp.bfloat16)
    acc = jnp.zeros((_TB, _D), jnp.float32)
    for i in range(sw1_ref.shape[0]):
        h1 = lax.dot_general(xbh, sw1_ref[i].astype(jnp.bfloat16),
                             (((1,), (1,)), ((), ())),
                             preferred_element_type=jnp.float32)
        h3 = lax.dot_general(xbh, sw3_ref[i].astype(jnp.bfloat16),
                             (((1,), (1,)), ((), ())),
                             preferred_element_type=jnp.float32)
        h = (jax.nn.silu(h1) * h3).astype(jnp.bfloat16)
        acc = acc + lax.dot_general(h, sw2_ref[i].astype(jnp.bfloat16),
                                    (((1,), (1,)), ((), ())),
                                    preferred_element_type=jnp.float32)
    sh_ref[...] = _pack_bf16(acc)


def _shared_ffn(x_part, sw1, sw2, sw3):
    nshared = sw1.shape[0]
    ntok = x_part.shape[0]
    grid = (ntok // _TB,)
    return pl.pallas_call(
        _shared_body,
        grid=grid,
        in_specs=[
            pl.BlockSpec((_TB, _D), lambda i: (i, 0)),
            pl.BlockSpec((nshared, _H, _D), lambda i: (0, 0, 0)),
            pl.BlockSpec((nshared, _D, _H), lambda i: (0, 0, 0)),
            pl.BlockSpec((nshared, _H, _D), lambda i: (0, 0, 0)),
        ],
        out_specs=pl.BlockSpec((_TB, _D2), lambda i: (i, 0)),
        out_shape=jax.ShapeDtypeStruct((ntok, _D2), jnp.int32),
    )(x_part, sw1, sw2, sw3)


def _meta_body(ids0_ref, ids1_ref, pos0_ref, pos1_ref, meta_ref,
               acc_ref, rank_ref, tri_ref):
    b = pl.program_id(0)
    nhalf = _N // _MB
    nrb = (2 * _N) // _MB

    @pl.when(b == 0)
    def _():
        acc_ref[...] = jnp.zeros((_E,), jnp.float32)
        r_iota = lax.broadcasted_iota(jnp.int32, (_MB, _MB), 0)
        c_iota = lax.broadcasted_iota(jnp.int32, (_MB, _MB), 1)
        tri_ref[...] = (c_iota < r_iota).astype(jnp.bfloat16)

    @pl.when(b < nrb)
    def _():
        off0 = jnp.where(b < nhalf, b * _MB, 0)
        off1 = jnp.where(b < nhalf, 0, (b - nhalf) * _MB)
        ia = ids0_ref[pl.ds(off0, _MB)]
        ib = ids1_ref[pl.ds(off1, _MB)]
        ids = jnp.where(b < nhalf, ia, ib)

        iota_e = lax.broadcasted_iota(jnp.int32, (_MB, _E), 1)
        oh_bf = (ids[:, None] == iota_e).astype(jnp.bfloat16)
        oh = oh_bf.astype(jnp.float32)
        excl = lax.dot_general(tri_ref[...], oh_bf, (((1,), (0,)), ((), ())),
                               preferred_element_type=jnp.float32)
        rank_rows = jnp.sum(oh * (excl + acc_ref[...][None, :]), axis=1)
        rank_ref[pl.ds(b * _MB, _MB)] = rank_rows
        acc_ref[...] = acc_ref[...] + jnp.sum(oh, axis=0)

    @pl.when(b == nrb)
    def _():
        counts = acc_ref[...]
        padded = jnp.floor((counts + (_B - 1.0)) / _B) * _B
        re_iota = lax.broadcasted_iota(jnp.int32, (_E, _E), 0)
        ce_iota = lax.broadcasted_iota(jnp.int32, (_E, _E), 1)
        tri64 = (ce_iota < re_iota).astype(jnp.float32)
        offs = lax.dot_general(tri64, padded[:, None],
                               (((1,), (0,)), ((), ())),
                               preferred_element_type=jnp.float32)[:, 0]
        cum_incl = offs + padded
        nbf = jnp.sum(padded) / _B
        gidx = lax.broadcasted_iota(jnp.int32, (_G, _E), 0).astype(
            jnp.float32) * _B
        be_raw = jnp.sum((gidx >= cum_incl[None, :]).astype(jnp.float32),
                         axis=1)
        e_vec = lax.broadcasted_iota(jnp.int32, (1, _E), 1).astype(
            jnp.float32)[0]
        last = jnp.max(e_vec * (counts > 0).astype(jnp.float32))
        be = jnp.minimum(be_raw, last)
        meta_ref[0:1, :] = be.astype(jnp.int32)[None, :]
        meta_ref[1:2, :] = (jnp.zeros((_G,), jnp.float32)
                            + nbf).astype(jnp.int32)[None, :]

        iota_e0 = lax.broadcasted_iota(jnp.int32, (_N, _E), 1)
        oh0 = (ids0_ref[...][:, None] == iota_e0).astype(jnp.float32)
        oh1 = (ids1_ref[...][:, None] == iota_e0).astype(jnp.float32)
        p0 = jnp.sum(oh0 * offs[None, :], axis=1) + rank_ref[pl.ds(0, _N)]
        p1 = jnp.sum(oh1 * offs[None, :], axis=1) + rank_ref[pl.ds(_N, _N)]
        pos0_ref[...] = p0.astype(jnp.int32)
        pos1_ref[...] = p1.astype(jnp.int32)


def _meta(ids0, ids1):
    nrb = (2 * _N) // _MB
    return pl.pallas_call(
        _meta_body,
        grid=(nrb + 1,),
        in_specs=[
            pl.BlockSpec((_N,), lambda b: (0,)),
            pl.BlockSpec((_N,), lambda b: (0,)),
        ],
        out_specs=[
            pl.BlockSpec((_N,), lambda b: (0,)),
            pl.BlockSpec((_N,), lambda b: (0,)),
            pl.BlockSpec((2, _G), lambda b: (0, 0)),
        ],
        out_shape=[
            jax.ShapeDtypeStruct((_N,), jnp.int32),
            jax.ShapeDtypeStruct((_N,), jnp.int32),
            jax.ShapeDtypeStruct((2, _G), jnp.int32),
        ],
        scratch_shapes=[
            pltpu.VMEM((_E,), jnp.float32),
            pltpu.VMEM((2 * _N,), jnp.float32),
            pltpu.VMEM((_MB, _MB), jnp.bfloat16),
        ],
    )(ids0, ids1)


def _dispatch_body(x_hbm, pos0_hbm, pos1_hbm, xs_hbm,
                   idx0_v, idx1_v, rows_v, sem0, sem1):
    wid = lax.axis_index("s") * 2 + lax.axis_index("c")
    base = wid * _TPW
    pltpu.sync_copy(pos0_hbm.at[pl.ds(base, _TPW)], idx0_v)
    pltpu.sync_copy(pos1_hbm.at[pl.ds(base, _TPW)], idx1_v)
    pltpu.sync_copy(x_hbm.at[pl.ds(base, _TPW)], rows_v)
    cp0 = pltpu.async_copy(rows_v, xs_hbm.at[idx0_v], sem0)
    cp1 = pltpu.async_copy(rows_v, xs_hbm.at[idx1_v], sem1)
    cp0.wait()
    cp1.wait()


def _dispatch(x_bf, pos0, pos1):
    mesh = plsc.VectorSubcoreMesh(core_axis_name="c", subcore_axis_name="s")
    f = pl.kernel(
        _dispatch_body,
        out_type=jax.ShapeDtypeStruct((_P, _D2), jnp.int32),
        mesh=mesh,
        scratch_types=[
            pltpu.VMEM((_TPW,), jnp.int32),
            pltpu.VMEM((_TPW,), jnp.int32),
            pltpu.VMEM((_TPW, _D2), jnp.int32),
            pltpu.SemaphoreType.DMA,
            pltpu.SemaphoreType.DMA,
        ],
    )
    return f(x_bf, pos0, pos1)


def _ffn_body(be_ref, nb_ref, xs_ref, w1_ref, w2_ref, w3_ref, ys_ref):
    g = pl.program_id(0)
    @pl.when(jnp.logical_or(g < nb_ref[0], g == _G - 1))
    def _():
        xb = _unpack_bf16(xs_ref[...]).astype(jnp.bfloat16)
        h1 = lax.dot_general(xb, w1_ref[0].astype(jnp.bfloat16),
                             (((1,), (1,)), ((), ())),
                             preferred_element_type=jnp.float32)
        h3 = lax.dot_general(xb, w3_ref[0].astype(jnp.bfloat16),
                             (((1,), (1,)), ((), ())),
                             preferred_element_type=jnp.float32)
        h = (jax.nn.silu(h1) * h3).astype(jnp.bfloat16)
        y = lax.dot_general(h, w2_ref[0].astype(jnp.bfloat16),
                            (((1,), (1,)), ((), ())),
                            preferred_element_type=jnp.float32)
        ys_ref[...] = _pack_bf16(y)


def _grouped_ffn(be, nb, xs, ew1, ew2, ew3):
    grid_spec = pltpu.PrefetchScalarGridSpec(
        num_scalar_prefetch=2,
        grid=(_G,),
        in_specs=[
            pl.BlockSpec((_B, _D2),
                         lambda g, be, nb: (jnp.minimum(g, nb[0] - 1), 0)),
            pl.BlockSpec((1, _H, _D), lambda g, be, nb: (be[g], 0, 0)),
            pl.BlockSpec((1, _D, _H), lambda g, be, nb: (be[g], 0, 0)),
            pl.BlockSpec((1, _H, _D), lambda g, be, nb: (be[g], 0, 0)),
        ],
        out_specs=pl.BlockSpec((_B, _D2),
                               lambda g, be, nb: (jnp.minimum(g, nb[0] - 1),
                                                  0)),
    )
    return pl.pallas_call(
        _ffn_body,
        grid_spec=grid_spec,
        out_shape=jax.ShapeDtypeStruct((_P, _D2), jnp.int32),
    )(be, nb, xs, ew1, ew2, ew3)


def _gatherback_body(ys_hbm, pos0_hbm, pos1_hbm, y0_hbm, y1_hbm,
                     idx_v, rows_v, sem):
    wid = lax.axis_index("s") * 2 + lax.axis_index("c")
    base = wid * _TPW
    pltpu.sync_copy(pos0_hbm.at[pl.ds(base, _TPW)], idx_v)
    pltpu.async_copy(ys_hbm.at[idx_v], rows_v, sem).wait()
    pltpu.sync_copy(rows_v, y0_hbm.at[pl.ds(base, _TPW)])
    pltpu.sync_copy(pos1_hbm.at[pl.ds(base, _TPW)], idx_v)
    pltpu.async_copy(ys_hbm.at[idx_v], rows_v, sem).wait()
    pltpu.sync_copy(rows_v, y1_hbm.at[pl.ds(base, _TPW)])


def _gatherback(ys, pos0, pos1):
    mesh = plsc.VectorSubcoreMesh(core_axis_name="c", subcore_axis_name="s")
    f = pl.kernel(
        _gatherback_body,
        out_type=(
            jax.ShapeDtypeStruct((_N, _D2), jnp.int32),
            jax.ShapeDtypeStruct((_N, _D2), jnp.int32),
        ),
        mesh=mesh,
        scratch_types=[
            pltpu.VMEM((_TPW,), jnp.int32),
            pltpu.VMEM((_TPW, _D2), jnp.int32),
            pltpu.SemaphoreType.DMA,
        ],
    )
    return f(ys, pos0, pos1)


def _combine_body(sh_ref, y0_ref, y1_ref, w0_ref, w1_ref, out_ref):
    out_ref[...] = (_unpack_bf16(sh_ref[...])
                    + w0_ref[...][:, None] * _unpack_bf16(y0_ref[...])
                    + w1_ref[...][:, None] * _unpack_bf16(y1_ref[...]))


def _combine(sh, y0, y1, w0, w1):
    grid = (_N // _TB,)
    return pl.pallas_call(
        _combine_body,
        grid=grid,
        in_specs=[
            pl.BlockSpec((_TB, _D2), lambda i: (i, 0)),
            pl.BlockSpec((_TB, _D2), lambda i: (i, 0)),
            pl.BlockSpec((_TB, _D2), lambda i: (i, 0)),
            pl.BlockSpec((_TB,), lambda i: (i,)),
            pl.BlockSpec((_TB,), lambda i: (i,)),
        ],
        out_specs=pl.BlockSpec((_TB, _D), lambda i: (i, 0)),
        out_shape=jax.ShapeDtypeStruct((_N, _D), jnp.float32),
    )(sh, y0, y1, w0, w1)


def kernel(x, router_w, expert_bias, shared_w1, shared_w2, shared_w3,
           expert_w1, expert_w2, expert_w3):
    bs, seq, d = x.shape
    x_flat = x.reshape(-1, d)

    ids0, ids1, w0, w1, x_bf = _router(x_flat, router_w, expert_bias)

    pos0, pos1, meta = _meta(ids0, ids1)
    be = meta[0]
    nb = meta[1, 0:1]

    xs = _dispatch(x_bf, pos0, pos1)
    ys = _grouped_ffn(be, nb, xs, expert_w1, expert_w2, expert_w3)
    shared = _shared_ffn(x_flat, shared_w1, shared_w2, shared_w3)
    y0, y1 = _gatherback(ys, pos0, pos1)
    out = _combine(shared, y0, y1, w0, w1)
    return out.reshape(bs, seq, d)

# --- scband reference (transcript-rebuilt; emitter-appended) ---
"""Pipeline reference for scband-mo-elayer-8366596293045 (READ-ONLY COPY).

The authoritative reference and input builder live on the scoring server;
editing this copy changes nothing except your own understanding.
"""

import jax, jax.numpy as jnp
import numpy as np

DIM = 768
HIDDEN = 512  # multiple_of rounding: 256 * (512 + 255) // 256 = 512
E = 64
TOPK = 2
NSHARED = 2
BS = 2
SEQ = 2048


def _ffn(x, w1, w2, w3):
    # LLaMA-style SwiGLU FeedForward: w2(silu(w1(x)) * w3(x))
    return (jax.nn.silu(x @ w1.T) * (x @ w3.T)) @ w2.T


def setup_inputs(seed: int = 0) -> dict:
    key = jax.random.key(seed)
    ks = jax.random.split(key, 10)
    x = jax.random.normal(ks[0], (BS, SEQ, DIM), dtype=jnp.float32)
    router_w = jax.random.normal(ks[1], (E, DIM), dtype=jnp.float32) * 0.02
    expert_bias = jnp.zeros((E,), dtype=jnp.float32)
    shared_w1 = jax.random.normal(ks[2], (NSHARED, HIDDEN, DIM), dtype=jnp.float32) * 0.02
    shared_w2 = jax.random.normal(ks[3], (NSHARED, DIM, HIDDEN), dtype=jnp.float32) * 0.02
    shared_w3 = jax.random.normal(ks[4], (NSHARED, HIDDEN, DIM), dtype=jnp.float32) * 0.02
    expert_w1 = jax.random.normal(ks[5], (E, HIDDEN, DIM), dtype=jnp.float32) * 0.02
    expert_w2 = jax.random.normal(ks[6], (E, DIM, HIDDEN), dtype=jnp.float32) * 0.02
    expert_w3 = jax.random.normal(ks[7], (E, HIDDEN, DIM), dtype=jnp.float32) * 0.02
    return {"x": x, "router_w": router_w, "expert_bias": expert_bias,
            "shared_w1": shared_w1, "shared_w2": shared_w2, "shared_w3": shared_w3,
            "expert_w1": expert_w1, "expert_w2": expert_w2, "expert_w3": expert_w3}


def reference(x, router_w, expert_bias, shared_w1, shared_w2, shared_w3,
              expert_w1, expert_w2, expert_w3):
    bs, seq_len, d_model = x.shape
    x_flat = x.reshape(-1, d_model)

    # shared experts applied to all tokens
    shared_output = jnp.zeros_like(x_flat)
    for i in range(NSHARED):
        shared_output = shared_output + _ffn(x_flat, shared_w1[i], shared_w2[i], shared_w3[i])

    # router with aux-free load-balance bias
    router_logits = x_flat @ router_w.T + expert_bias
    routing_vals, selected_experts = jax.lax.top_k(router_logits, TOPK)
    routing_weights = jax.nn.softmax(routing_vals.astype(jnp.float32), axis=-1).astype(x.dtype)

    final_output = jnp.zeros_like(x_flat)
    for e in range(E):
        sel_mask = (selected_experts == e).astype(routing_weights.dtype)
        w = jnp.sum(routing_weights * sel_mask, axis=-1, keepdims=True)
        expert_out = _ffn(x_flat, expert_w1[e], expert_w2[e], expert_w3[e])
        final_output = final_output + expert_out * w

    final_output = final_output + shared_output
    return final_output.reshape(bs, seq_len, -1)

if __name__ == "__main__":
    import jax
    _d = setup_inputs()
    print(jax.jit(kernel)(*tuple(_d.values())))

</pallas_src>

<mosaic_0001>
#map = affine_map<(d0, d1) -> (0, 0)>
#map1 = affine_map<(d0, d1) -> (0)>
module attributes {stable_mosaic.version = 14 : i64} {
  func.func @_dispatch_body(%arg0: i32, %arg1: i32, %arg2: memref<4096x384xi32, #tpu.memory_space<hbm>>, %arg3: memref<4096xi32, #tpu.memory_space<hbm>>, %arg4: memref<4096xi32, #tpu.memory_space<hbm>>, %arg5: memref<16384x384xi32, #tpu.memory_space<hbm>>, %arg6: memref<128xi32, #tpu.memory_space<vmem>>, %arg7: memref<128xi32, #tpu.memory_space<vmem>>, %arg8: memref<128x384xi32, #tpu.memory_space<vmem>>, %arg9: memref<!tpu.dma_semaphore, #tpu.memory_space<semaphore_mem>>, %arg10: memref<!tpu.dma_semaphore, #tpu.memory_space<semaphore_mem>>) attributes {dimension_semantics = [#tpu.dimension_semantics<core_parallel>, #tpu.dimension_semantics<subcore_parallel>], iteration_bounds = array<i64: 2, 16>, scalar_prefetch = 0 : i64, scratch_operands = 5 : i64, tpu.core_type = #tpu.core_type<sc_vector_subcore>, window_params = [{transform_indices = #map}, {transform_indices = #map1}, {transform_indices = #map1}, {transform_indices = #map}]} {
    %mul3A = arith.constant 2 : i32
    %mul3A_0 = arith.muli %arg1, %mul3A : i32
    %add3A = arith.addi %mul3A_0, %arg0 : i32
    %mul3A_1 = arith.constant 128 : i32
    %mul3A_2 = arith.muli %add3A, %mul3A_1 : i32
    "tpu.region"() ({
      %run_scoped3A = tpu.sem_alloc : memref<!tpu.dma_semaphore, #tpu.memory_space<semaphore_mem>>
      %dma_start3A_13 = tpu.memref_slice %arg3[%mul3A_2] : memref<4096xi32, #tpu.memory_space<hbm>> -> memref<128xi32, #tpu.memory_space<hbm>>
      %dma_start3A_14 = tpu.memref_slice %arg3[%mul3A_2] : memref<4096xi32, #tpu.memory_space<hbm>> -> memref<128xi32, #tpu.memory_space<hbm>>
      tpu.enqueue_dma source(%dma_start3A_14 : memref<128xi32, #tpu.memory_space<hbm>>) target(%arg6 : memref<128xi32, #tpu.memory_space<vmem>>) target_semaphore(%run_scoped3A : memref<!tpu.dma_semaphore, #tpu.memory_space<semaphore_mem>>)
      %dma_wait3A_15 = tpu.memref_slice %arg3[%mul3A_2] : memref<4096xi32, #tpu.memory_space<hbm>> -> memref<128xi32, #tpu.memory_space<hbm>>
      %dma_wait3A_16 = tpu.memref_slice %arg3[%mul3A_2] : memref<4096xi32, #tpu.memory_space<hbm>> -> memref<128xi32, #tpu.memory_space<hbm>>
      tpu.wait_dma2 semaphore(%run_scoped3A : memref<!tpu.dma_semaphore, #tpu.memory_space<semaphore_mem>>) src(%dma_wait3A_16 : memref<128xi32, #tpu.memory_space<hbm>>) dst(%arg6 : memref<128xi32, #tpu.memory_space<vmem>>)
      tpu.yield
    }) : () -> ()
    "tpu.region"() ({
      %run_scoped3A = tpu.sem_alloc : memref<!tpu.dma_semaphore, #tpu.memory_space<semaphore_mem>>
      %dma_start3A_13 = tpu.memref_slice %arg4[%mul3A_2] : memref<4096xi32, #tpu.memory_space<hbm>> -> memref<128xi32, #tpu.memory_space<hbm>>
      %dma_start3A_14 = tpu.memref_slice %arg4[%mul3A_2] : memref<4096xi32, #tpu.memory_space<hbm>> -> memref<128xi32, #tpu.memory_space<hbm>>
      tpu.enqueue_dma source(%dma_start3A_14 : memref<128xi32, #tpu.memory_space<hbm>>) target(%arg7 : memref<128xi32, #tpu.memory_space<vmem>>) target_semaphore(%run_scoped3A : memref<!tpu.dma_semaphore, #tpu.memory_space<semaphore_mem>>)
      %dma_wait3A_15 = tpu.memref_slice %arg4[%mul3A_2] : memref<4096xi32, #tpu.memory_space<hbm>> -> memref<128xi32, #tpu.memory_space<hbm>>
      %dma_wait3A_16 = tpu.memref_slice %arg4[%mul3A_2] : memref<4096xi32, #tpu.memory_space<hbm>> -> memref<128xi32, #tpu.memory_space<hbm>>
      tpu.wait_dma2 semaphore(%run_scoped3A : memref<!tpu.dma_semaphore, #tpu.memory_space<semaphore_mem>>) src(%dma_wait3A_16 : memref<128xi32, #tpu.memory_space<hbm>>) dst(%arg7 : memref<128xi32, #tpu.memory_space<vmem>>)
      tpu.yield
    }) : () -> ()
    "tpu.region"() ({
      %run_scoped3A = tpu.sem_alloc : memref<!tpu.dma_semaphore, #tpu.memory_space<semaphore_mem>>
      %dma_start3A_13 = arith.constant 0 : i32
      %dma_start3A_14 = tpu.memref_slice %arg2[%mul3A_2, %dma_start3A_13] : memref<4096x384xi32, #tpu.memory_space<hbm>> -> memref<128x384xi32, #tpu.memory_space<hbm>>
      %dma_start3A_15 = arith.constant 0 : i32
      %dma_start3A_16 = tpu.memref_slice %arg2[%mul3A_2, %dma_start3A_15] : memref<4096x384xi32, #tpu.memory_space<hbm>> -> memref<128x384xi32, #tpu.memory_space<hbm>>
      tpu.enqueue_dma source(%dma_start3A_16 : memref<128x384xi32, #tpu.memory_space<hbm>>) target(%arg8 : memref<128x384xi32, #tpu.memory_space<vmem>>) target_semaphore(%run_scoped3A : memref<!tpu.dma_semaphore, #tpu.memory_space<semaphore_mem>>)
      %dma_wait3A_17 = arith.constant 0 : i32
      %dma_wait3A_18 = tpu.memref_slice %arg2[%mul3A_2, %dma_wait3A_17] : memref<4096x384xi32, #tpu.memory_space<hbm>> -> memref<128x384xi32, #tpu.memory_space<hbm>>
      %dma_wait3A_19 = arith.constant 0 : i32
      %dma_wait3A_20 = tpu.memref_slice %arg2[%mul3A_2, %dma_wait3A_19] : memref<4096x384xi32, #tpu.memory_space<hbm>> -> memref<128x384xi32, #tpu.memory_space<hbm>>
      tpu.wait_dma2 semaphore(%run_scoped3A : memref<!tpu.dma_semaphore, #tpu.memory_space<semaphore_mem>>) src(%dma_wait3A_20 : memref<128x384xi32, #tpu.memory_space<hbm>>) dst(%arg8 : memref<128x384xi32, #tpu.memory_space<vmem>>)
      tpu.yield
    }) : () -> ()
    %dma_start3A = arith.constant 0 : i32
    %dma_start3A_3 = arith.constant 0 : i32
    %dma_start3A_4 = tpu.memref_slice %arg5[%dma_start3A, %dma_start3A_3] : memref<16384x384xi32, #tpu.memory_space<hbm>> -> memref<16384x384xi32, #tpu.memory_space<hbm>>
    tpu.enqueue_indirect_dma source(%arg8 : memref<128x384xi32, #tpu.memory_space<vmem>>) target(%dma_start3A_4 : memref<16384x384xi32, #tpu.memory_space<hbm>>) offsets(%arg6 : memref<128xi32, #tpu.memory_space<vmem>>) semaphore(%arg9 : memref<!tpu.dma_semaphore, #tpu.memory_space<semaphore_mem>>)
    %dma_start3A_5 = arith.constant 0 : i32
    %dma_start3A_6 = arith.constant 0 : i32
    %dma_start3A_7 = tpu.memref_slice %arg5[%dma_start3A_5, %dma_start3A_6] : memref<16384x384xi32, #tpu.memory_space<hbm>> -> memref<16384x384xi32, #tpu.memory_space<hbm>>
    tpu.enqueue_indirect_dma source(%arg8 : memref<128x384xi32, #tpu.memory_space<vmem>>) target(%dma_start3A_7 : memref<16384x384xi32, #tpu.memory_space<hbm>>) offsets(%arg7 : memref<128xi32, #tpu.memory_space<vmem>>) semaphore(%arg10 : memref<!tpu.dma_semaphore, #tpu.memory_space<semaphore_mem>>)
    %dma_wait3A = arith.constant 0 : i32
    %dma_wait3A_8 = arith.constant 0 : i32
    %dma_wait3A_9 = tpu.memref_slice %arg5[%dma_wait3A, %dma_wait3A_8] : memref<16384x384xi32, #tpu.memory_space<hbm>> -> memref<16384x384xi32, #tpu.memory_space<hbm>>
    tpu.wait_indirect_dma semaphore(%arg9 : memref<!tpu.dma_semaphore, #tpu.memory_space<semaphore_mem>>) src(%arg8 : memref<128x384xi32, #tpu.memory_space<vmem>>) dst(%dma_wait3A_9 : memref<16384x384xi32, #tpu.memory_space<hbm>>)
    %dma_wait3A_10 = arith.constant 0 : i32
    %dma_wait3A_11 = arith.constant 0 : i32
    %dma_wait3A_12 = tpu.memref_slice %arg5[%dma_wait3A_10, %dma_wait3A_11] : memref<16384x384xi32, #tpu.memory_space<hbm>> -> memref<16384x384xi32, #tpu.memory_space<hbm>>
    tpu.wait_indirect_dma semaphore(%arg10 : memref<!tpu.dma_semaphore, #tpu.memory_space<semaphore_mem>>) src(%arg8 : memref<128x384xi32, #tpu.memory_space<vmem>>) dst(%dma_wait3A_12 : memref<16384x384xi32, #tpu.memory_space<hbm>>)
    return
  }
}

#map = affine_map<(d0, d1) -> (0, 0)>
#map1 = affine_map<(d0, d1) -> (0)>
module attributes {stable_mosaic.version = 14 : i64} {
  func.func @_gatherback_body(%arg0: i32, %arg1: i32, %arg2: memref<16384x384xi32, #tpu.memory_space<hbm>>, %arg3: memref<4096xi32, #tpu.memory_space<hbm>>, %arg4: memref<4096xi32, #tpu.memory_space<hbm>>, %arg5: memref<4096x384xi32, #tpu.memory_space<hbm>>, %arg6: memref<4096x384xi32, #tpu.memory_space<hbm>>, %arg7: memref<128xi32, #tpu.memory_space<vmem>>, %arg8: memref<128x384xi32, #tpu.memory_space<vmem>>, %arg9: memref<!tpu.dma_semaphore, #tpu.memory_space<semaphore_mem>>) attributes {dimension_semantics = [#tpu.dimension_semantics<core_parallel>, #tpu.dimension_semantics<subcore_parallel>], iteration_bounds = array<i64: 2, 16>, scalar_prefetch = 0 : i64, scratch_operands = 3 : i64, tpu.core_type = #tpu.core_type<sc_vector_subcore>, window_params = [{transform_indices = #map}, {transform_indices = #map1}, {transform_indices = #map1}, {transform_indices = #map}, {transform_indices = #map}]} {
    %mul3A = arith.constant 2 : i32
    %mul3A_0 = arith.muli %arg1, %mul3A : i32
    %add3A = arith.addi %mul3A_0, %arg0 : i32
    %mul3A_1 = arith.constant 128 : i32
    %mul3A_2 = arith.muli %add3A, %mul3A_1 : i32
    "tpu.region"() ({
      %run_scoped3A = tpu.sem_alloc : memref<!tpu.dma_semaphore, #tpu.memory_space<semaphore_mem>>
      %dma_start3A_13 = tpu.memref_slice %arg3[%mul3A_2] : memref<4096xi32, #tpu.memory_space<hbm>> -> memref<128xi32, #tpu.memory_space<hbm>>
      %dma_start3A_14 = tpu.memref_slice %arg3[%mul3A_2] : memref<4096xi32, #tpu.memory_space<hbm>> -> memref<128xi32, #tpu.memory_space<hbm>>
      tpu.enqueue_dma source(%dma_start3A_14 : memref<128xi32, #tpu.memory_space<hbm>>) target(%arg7 : memref<128xi32, #tpu.memory_space<vmem>>) target_semaphore(%run_scoped3A : memref<!tpu.dma_semaphore, #tpu.memory_space<semaphore_mem>>)
      %dma_wait3A_15 = tpu.memref_slice %arg3[%mul3A_2] : memref<4096xi32, #tpu.memory_space<hbm>> -> memref<128xi32, #tpu.memory_space<hbm>>
      %dma_wait3A_16 = tpu.memref_slice %arg3[%mul3A_2] : memref<4096xi32, #tpu.memory_space<hbm>> -> memref<128xi32, #tpu.memory_space<hbm>>
      tpu.wait_dma2 semaphore(%run_scoped3A : memref<!tpu.dma_semaphore, #tpu.memory_space<semaphore_mem>>) src(%dma_wait3A_16 : memref<128xi32, #tpu.memory_space<hbm>>) dst(%arg7 : memref<128xi32, #tpu.memory_space<vmem>>)
      tpu.yield
    }) : () -> ()
    %dma_start3A = arith.constant 0 : i32
    %dma_start3A_3 = arith.constant 0 : i32
    %dma_start3A_4 = tpu.memref_slice %arg2[%dma_start3A, %dma_start3A_3] : memref<16384x384xi32, #tpu.memory_space<hbm>> -> memref<16384x384xi32, #tpu.memory_space<hbm>>
    tpu.enqueue_indirect_dma source(%dma_start3A_4 : memref<16384x384xi32, #tpu.memory_space<hbm>>) target(%arg8 : memref<128x384xi32, #tpu.memory_space<vmem>>) offsets(%arg7 : memref<128xi32, #tpu.memory_space<vmem>>) semaphore(%arg9 : memref<!tpu.dma_semaphore, #tpu.memory_space<semaphore_mem>>)
    %dma_wait3A = arith.constant 0 : i32
    %dma_wait3A_5 = arith.constant 0 : i32
    %dma_wait3A_6 = tpu.memref_slice %arg2[%dma_wait3A, %dma_wait3A_5] : memref<16384x384xi32, #tpu.memory_space<hbm>> -> memref<16384x384xi32, #tpu.memory_space<hbm>>
    tpu.wait_indirect_dma semaphore(%arg9 : memref<!tpu.dma_semaphore, #tpu.memory_space<semaphore_mem>>) src(%dma_wait3A_6 : memref<16384x384xi32, #tpu.memory_space<hbm>>) dst(%arg8 : memref<128x384xi32, #tpu.memory_space<vmem>>)
    "tpu.region"() ({
      %run_scoped3A = tpu.sem_alloc : memref<!tpu.dma_semaphore, #tpu.memory_space<semaphore_mem>>
      %dma_start3A_13 = arith.constant 0 : i32
      %dma_start3A_14 = tpu.memref_slice %arg5[%mul3A_2, %dma_start3A_13] : memref<4096x384xi32, #tpu.memory_space<hbm>> -> memref<128x384xi32, #tpu.memory_space<hbm>>
      %dma_start3A_15 = arith.constant 0 : i32
      %dma_start3A_16 = tpu.memref_slice %arg5[%mul3A_2, %dma_start3A_15] : memref<4096x384xi32, #tpu.memory_space<hbm>> -> memref<128x384xi32, #tpu.memory_space<hbm>>
      tpu.enqueue_dma source(%arg8 : memref<128x384xi32, #tpu.memory_space<vmem>>) target(%dma_start3A_16 : memref<128x384xi32, #tpu.memory_space<hbm>>) target_semaphore(%run_scoped3A : memref<!tpu.dma_semaphore, #tpu.memory_space<semaphore_mem>>)
      %dma_wait3A_17 = arith.constant 0 : i32
      %dma_wait3A_18 = tpu.memref_slice %arg5[%mul3A_2, %dma_wait3A_17] : memref<4096x384xi32, #tpu.memory_space<hbm>> -> memref<128x384xi32, #tpu.memory_space<hbm>>
      %dma_wait3A_19 = arith.constant 0 : i32
      %dma_wait3A_20 = tpu.memref_slice %arg5[%mul3A_2, %dma_wait3A_19] : memref<4096x384xi32, #tpu.memory_space<hbm>> -> memref<128x384xi32, #tpu.memory_space<hbm>>
      tpu.wait_dma2 semaphore(%run_scoped3A : memref<!tpu.dma_semaphore, #tpu.memory_space<semaphore_mem>>) src(%arg8 : memref<128x384xi32, #tpu.memory_space<vmem>>) dst(%dma_wait3A_20 : memref<128x384xi32, #tpu.memory_space<hbm>>)
      tpu.yield
    }) : () -> ()
    "tpu.region"() ({
      %run_scoped3A = tpu.sem_alloc : memref<!tpu.dma_semaphore, #tpu.memory_space<semaphore_mem>>
      %dma_start3A_13 = tpu.memref_slice %arg4[%mul3A_2] : memref<4096xi32, #tpu.memory_space<hbm>> -> memref<128xi32, #tpu.memory_space<hbm>>
      %dma_start3A_14 = tpu.memref_slice %arg4[%mul3A_2] : memref<4096xi32, #tpu.memory_space<hbm>> -> memref<128xi32, #tpu.memory_space<hbm>>
      tpu.enqueue_dma source(%dma_start3A_14 : memref<128xi32, #tpu.memory_space<hbm>>) target(%arg7 : memref<128xi32, #tpu.memory_space<vmem>>) target_semaphore(%run_scoped3A : memref<!tpu.dma_semaphore, #tpu.memory_space<semaphore_mem>>)
      %dma_wait3A_15 = tpu.memref_slice %arg4[%mul3A_2] : memref<4096xi32, #tpu.memory_space<hbm>> -> memref<128xi32, #tpu.memory_space<hbm>>
      %dma_wait3A_16 = tpu.memref_slice %arg4[%mul3A_2] : memref<4096xi32, #tpu.memory_space<hbm>> -> memref<128xi32, #tpu.memory_space<hbm>>
      tpu.wait_dma2 semaphore(%run_scoped3A : memref<!tpu.dma_semaphore, #tpu.memory_space<semaphore_mem>>) src(%dma_wait3A_16 : memref<128xi32, #tpu.memory_space<hbm>>) dst(%arg7 : memref<128xi32, #tpu.memory_space<vmem>>)
      tpu.yield
    }) : () -> ()
    %dma_start3A_7 = arith.constant 0 : i32
    %dma_start3A_8 = arith.constant 0 : i32
    %dma_start3A_9 = tpu.memref_slice %arg2[%dma_start3A_7, %dma_start3A_8] : memref<16384x384xi32, #tpu.memory_space<hbm>> -> memref<16384x384xi32, #tpu.memory_space<hbm>>
    tpu.enqueue_indirect_dma source(%dma_start3A_9 : memref<16384x384xi32, #tpu.memory_space<hbm>>) target(%arg8 : memref<128x384xi32, #tpu.memory_space<vmem>>) offsets(%arg7 : memref<128xi32, #tpu.memory_space<vmem>>) semaphore(%arg9 : memref<!tpu.dma_semaphore, #tpu.memory_space<semaphore_mem>>)
    %dma_wait3A_10 = arith.constant 0 : i32
    %dma_wait3A_11 = arith.constant 0 : i32
    %dma_wait3A_12 = tpu.memref_slice %arg2[%dma_wait3A_10, %dma_wait3A_11] : memref<16384x384xi32, #tpu.memory_space<hbm>> -> memref<16384x384xi32, #tpu.memory_space<hbm>>
    tpu.wait_indirect_dma semaphore(%arg9 : memref<!tpu.dma_semaphore, #tpu.memory_space<semaphore_mem>>) src(%dma_wait3A_12 : memref<16384x384xi32, #tpu.memory_space<hbm>>) dst(%arg8 : memref<128x384xi32, #tpu.memory_space<vmem>>)
    "tpu.region"() ({
      %run_scoped3A = tpu.sem_alloc : memref<!tpu.dma_semaphore, #tpu.memory_space<semaphore_mem>>
      %dma_start3A_13 = arith.constant 0 : i32
      %dma_start3A_14 = tpu.memref_slice %arg6[%mul3A_2, %dma_start3A_13] : memref<4096x384xi32, #tpu.memory_space<hbm>> -> memref<128x384xi32, #tpu.memory_space<hbm>>
      %dma_start3A_15 = arith.constant 0 : i32
      %dma_start3A_16 = tpu.memref_slice %arg6[%mul3A_2, %dma_start3A_15] : memref<4096x384xi32, #tpu.memory_space<hbm>> -> memref<128x384xi32, #tpu.memory_space<hbm>>
      tpu.enqueue_dma source(%arg8 : memref<128x384xi32, #tpu.memory_space<vmem>>) target(%dma_start3A_16 : memref<128x384xi32, #tpu.memory_space<hbm>>) target_semaphore(%run_scoped3A : memref<!tpu.dma_semaphore, #tpu.memory_space<semaphore_mem>>)
      %dma_wait3A_17 = arith.constant 0 : i32
      %dma_wait3A_18 = tpu.memref_slice %arg6[%mul3A_2, %dma_wait3A_17] : memref<4096x384xi32, #tpu.memory_space<hbm>> -> memref<128x384xi32, #tpu.memory_space<hbm>>
      %dma_wait3A_19 = arith.constant 0 : i32
      %dma_wait3A_20 = tpu.memref_slice %arg6[%mul3A_2, %dma_wait3A_19] : memref<4096x384xi32, #tpu.memory_space<hbm>> -> memref<128x384xi32, #tpu.memory_space<hbm>>
      tpu.wait_dma2 semaphore(%run_scoped3A : memref<!tpu.dma_semaphore, #tpu.memory_space<semaphore_mem>>) src(%arg8 : memref<128x384xi32, #tpu.memory_space<vmem>>) dst(%dma_wait3A_20 : memref<128x384xi32, #tpu.memory_space<hbm>>)
      tpu.yield
    }) : () -> ()
    return
  }
}

module attributes {stable_mosaic.version = 14 : i64} {
  func.func @_router_body(%arg0: i32, %arg1: memref<2048x768xf32, #tpu.memory_space<vmem>>, %arg2: memref<64x768xf32, #tpu.memory_space<vmem>>, %arg3: memref<64xf32, #tpu.memory_space<vmem>>, %arg4: memref<2048xi32, #tpu.memory_space<vmem>>, %arg5: memref<2048xi32, #tpu.memory_space<vmem>>, %arg6: memref<2048xf32, #tpu.memory_space<vmem>>, %arg7: memref<2048xf32, #tpu.memory_space<vmem>>, %arg8: memref<2048x384xi32, #tpu.memory_space<vmem>>) attributes {dimension_semantics = [#tpu.dimension_semantics<arbitrary>], iteration_bounds = array<i64: 2>, scalar_prefetch = 0 : i64, scratch_operands = 0 : i64, tpu.core_type = #tpu.core_type<tc>, window_params = [{transform_indices = @transform_0, window_bounds = array<i64: 2048, 768>}, {pipeline_mode = #tpu.pipeline_mode<synchronous>, transform_indices = @transform_1, window_bounds = array<i64: 64, 768>}, {pipeline_mode = #tpu.pipeline_mode<synchronous>, transform_indices = @transform_2, window_bounds = array<i64: 64>}, {transform_indices = @transform_3, window_bounds = array<i64: 2048>}, {transform_indices = @transform_4, window_bounds = array<i64: 2048>}, {transform_indices = @transform_5, window_bounds = array<i64: 2048>}, {transform_indices = @transform_6, window_bounds = array<i64: 2048>}, {transform_indices = @transform_7, window_bounds = array<i64: 2048, 384>}]} {
    %get3A = arith.constant 0 : index
    %get3A_0 = arith.constant 0 : index
    %get3A_1 = vector.load %arg1[%get3A, %get3A_0] : memref<2048x768xf32, #tpu.memory_space<vmem>>, vector<2048x768xf32>
    %convert_element_type3A = arith.truncf %get3A_1 : vector<2048x768xf32> to vector<2048x768xbf16>
    %convert_element_type3A_2 = arith.extf %convert_element_type3A : vector<2048x768xbf16> to vector<2048x768xf32>
    %bitcast_convert_type3A = tpu.bitcast %convert_element_type3A_2 : vector<2048x768xf32> -> vector<2048x768xi32>
    %slice3A = vector.extract_strided_slice %bitcast_convert_type3A {offsets = [0, 0], sizes = [2048, 384], strides = [1, 1]} : vector<2048x768xi32> to vector<2048x384xi32>
    %and3A = arith.constant -65536 : i32
    %and3A_3 = vector.broadcast %and3A : i32 to vector<2048x384xi32>
    %and3A_4 = arith.andi %slice3A, %and3A_3 : vector<2048x384xi32>
    %slice3A_5 = vector.extract_strided_slice %bitcast_convert_type3A {offsets = [0, 384], sizes = [2048, 384], strides = [1, 1]} : vector<2048x768xi32> to vector<2048x384xi32>
    %shift_right_logical3A = arith.constant 16 : i32
    %shift_right_logical3A_6 = vector.broadcast %shift_right_logical3A : i32 to vector<2048x384xi32>
    %shift_right_logical3A_7 = arith.shrui %slice3A_5, %shift_right_logical3A_6 : vector<2048x384xi32>
    %or3A = arith.ori %and3A_4, %shift_right_logical3A_7 : vector<2048x384xi32>
    %bitcast_convert_type3A_8 = tpu.bitcast %or3A : vector<2048x384xi32> -> vector<2048x384xi32>
    %swap3A = arith.constant 0 : index
    %swap3A_9 = arith.constant 0 : index
    %swap3A_10 = vector.load %arg8[%swap3A, %swap3A_9] : memref<2048x384xi32, #tpu.memory_space<vmem>>, vector<2048x384xi32>
    tpu.vector_store %arg8[%swap3A, %swap3A_9], %bitcast_convert_type3A_8 {strides = array<i32>} : memref<2048x384xi32, #tpu.memory_space<vmem>>, vector<2048x384xi32>,
    %get3A_11 = arith.constant 0 : index
    %get3A_12 = arith.constant 0 : index
    %get3A_13 = vector.load %arg2[%get3A_11, %get3A_12] : memref<64x768xf32, #tpu.memory_space<vmem>>, vector<64x768xf32>
    %dot_general3A = arith.constant dense<0.000000e+00> : vector<2048x64xf32>
    %dot_general3A_14 = tpu.matmul %get3A_1, %get3A_13, %dot_general3A {dimension_numbers = #tpu.dot_dimension_numbers<[1], [1], [0], [0], [0, 0, 1, 0], [], []>, transpose_lhs_hint = false} : vector<2048x768xf32>, vector<64x768xf32>, vector<2048x64xf32> -> vector<2048x64xf32>
    %get3A_15 = arith.constant 0 : index
    %get3A_16 = vector.load %arg3[%get3A_15] : memref<64xf32, #tpu.memory_space<vmem>>, vector<64xf32>
    %broadcast_in_dim3A = vector.shape_cast %get3A_16 : vector<64xf32> to vector<1x64xf32>
    %add3A = vector.broadcast %broadcast_in_dim3A : vector<1x64xf32> to vector<2048x64xf32>
    %add3A_17 = arith.addf %dot_general3A_14, %add3A : vector<2048x64xf32>
    %iota3A = tpu.iota {dimensions = array<i32: 1>} : vector<2048x64xi32>
    %reduce_max3A = arith.constant dense<0xFF800000> : vector<2048xf32>
    %reduce_max3A_18 = vector.multi_reduction <maximumf>, %add3A_17, %reduce_max3A [1] : vector<2048x64xf32> to vector<2048xf32>
    %broadcast_in_dim3A_19 = vector.shape_cast %reduce_max3A_18 : vector<2048xf32> to vector<2048x1xf32>
    %eq3A = vector.broadcast %broadcast_in_dim3A_19 : vector<2048x1xf32> to vector<2048x64xf32>
    %eq3A_20 = arith.cmpf oeq, %add3A_17, %eq3A : vector<2048x64xf32>
    %jit3A = arith.constant 64 : i32
    %broadcast_in_dim3A_21 = vector.broadcast %jit3A : i32 to vector<2048x64xi32>
    %select_n3A = arith.select %eq3A_20, %iota3A, %broadcast_in_dim3A_21 : vector<2048x64xi1>, vector<2048x64xi32>
    %reduce_min3A = arith.constant dense<2147483647> : vector<2048xi32>
    %reduce_min3A_22 = vector.multi_reduction <minsi>, %select_n3A, %reduce_min3A [1] : vector<2048x64xi32> to vector<2048xi32>
    %broadcast_in_dim3A_23 = vector.shape_cast %reduce_min3A_22 : vector<2048xi32> to vector<2048x1xi32>
    %eq3A_24 = vector.broadcast %broadcast_in_dim3A_23 : vector<2048x1xi32> to vector<2048x64xi32>
    %eq3A_25 = arith.cmpi eq, %iota3A, %eq3A_24 : vector<2048x64xi32>
    %jit3A_26 = arith.constant 0xFF800000 : f32
    %broadcast_in_dim3A_27 = vector.broadcast %jit3A_26 : f32 to vector<2048x64xf32>
    %select_n3A_28 = arith.select %eq3A_25, %broadcast_in_dim3A_27, %add3A_17 : vector<2048x64xi1>, vector<2048x64xf32>
    %reduce_max3A_29 = arith.constant dense<0xFF800000> : vector<2048xf32>
    %reduce_max3A_30 = vector.multi_reduction <maximumf>, %select_n3A_28, %reduce_max3A_29 [1] : vector<2048x64xf32> to vector<2048xf32>
    %broadcast_in_dim3A_31 = vector.shape_cast %reduce_max3A_30 : vector<2048xf32> to vector<2048x1xf32>
    %eq3A_32 = vector.broadcast %broadcast_in_dim3A_31 : vector<2048x1xf32> to vector<2048x64xf32>
    %eq3A_33 = arith.cmpf oeq, %select_n3A_28, %eq3A_32 : vector<2048x64xf32>
    %jit3A_34 = arith.constant 64 : i32
    %broadcast_in_dim3A_35 = vector.broadcast %jit3A_34 : i32 to vector<2048x64xi32>
    %select_n3A_36 = arith.select %eq3A_33, %iota3A, %broadcast_in_dim3A_35 : vector<2048x64xi1>, vector<2048x64xi32>
    %reduce_min3A_37 = arith.constant dense<2147483647> : vector<2048xi32>
    %reduce_min3A_38 = vector.multi_reduction <minsi>, %select_n3A_36, %reduce_min3A_37 [1] : vector<2048x64xi32> to vector<2048xi32>
    %squeeze3A = vector.shape_cast %broadcast_in_dim3A_19 : vector<2048x1xf32> to vector<2048xf32>
    %squeeze3A_39 = vector.shape_cast %broadcast_in_dim3A_31 : vector<2048x1xf32> to vector<2048xf32>
    %sub3A = arith.subf %squeeze3A, %squeeze3A_39 : vector<2048xf32>
    %logistic3A = arith.negf %sub3A : vector<2048xf32>
    %logistic3A_40 = math.exp %logistic3A : vector<2048xf32>
    %logistic3A_41 = arith.constant 1.000000e+00 : f32
    %logistic3A_42 = vector.broadcast %logistic3A_41 : f32 to vector<2048xf32>
    %logistic3A_43 = arith.addf %logistic3A_42, %logistic3A_40 : vector<2048xf32>
    %logistic3A_44 = arith.divf %logistic3A_42, %logistic3A_43 : vector<2048xf32>
    %swap3A_45 = arith.constant 0 : index
    %swap3A_46 = vector.load %arg4[%swap3A_45] : memref<2048xi32, #tpu.memory_space<vmem>>, vector<2048xi32>
    tpu.vector_store %arg4[%swap3A_45], %reduce_min3A_22 {strides = array<i32>} : memref<2048xi32, #tpu.memory_space<vmem>>, vector<2048xi32>,
    %swap3A_47 = arith.constant 0 : index
    %swap3A_48 = vector.load %arg5[%swap3A_47] : memref<2048xi32, #tpu.memory_space<vmem>>, vector<2048xi32>
    tpu.vector_store %arg5[%swap3A_47], %reduce_min3A_38 {strides = array<i32>} : memref<2048xi32, #tpu.memory_space<vmem>>, vector<2048xi32>,
    %swap3A_49 = arith.constant 0 : index
    %swap3A_50 = vector.load %arg6[%swap3A_49] : memref<2048xf32, #tpu.memory_space<vmem>>, vector<2048xf32>
    tpu.vector_store %arg6[%swap3A_49], %logistic3A_44 {strides = array<i32>} : memref<2048xf32, #tpu.memory_space<vmem>>, vector<2048xf32>,
    %sub3A_51 = arith.constant 1.000000e+00 : f32
    %sub3A_52 = vector.broadcast %sub3A_51 : f32 to vector<2048xf32>
    %sub3A_53 = arith.subf %sub3A_52, %logistic3A_44 : vector<2048xf32>
    %swap3A_54 = arith.constant 0 : index
    %swap3A_55 = vector.load %arg7[%swap3A_54] : memref<2048xf32, #tpu.memory_space<vmem>>, vector<2048xf32>
    tpu.vector_store %arg7[%swap3A_54], %sub3A_53 {strides = array<i32>} : memref<2048xf32, #tpu.memory_space<vmem>>, vector<2048xf32>,
    return
  }
  func.func @transform_0(%arg0: i32) -> (i32, i32) {
    %c0_i32 = arith.constant 0 : i32
    %c0_i32_0 = arith.constant 0 : i32
    return %arg0, %c0_i32 : i32, i32
  }
  func.func @transform_1(%arg0: i32) -> (i32, i32) {
    %c0_i32 = arith.constant 0 : i32
    %c0_i32_0 = arith.constant 0 : i32
    %c0_i32_1 = arith.constant 0 : i32
    return %c0_i32, %c0_i32_0 : i32, i32
  }
  func.func @transform_2(%arg0: i32) -> i32 {
    %c0_i32 = arith.constant 0 : i32
    %c0_i32_0 = arith.constant 0 : i32
    return %c0_i32 : i32
  }
  func.func @transform_3(%arg0: i32) -> i32 {
    %c0_i32 = arith.constant 0 : i32
    return %arg0 : i32
  }
  func.func @transform_4(%arg0: i32) -> i32 {
    %c0_i32 = arith.constant 0 : i32
    return %arg0 : i32
  }
  func.func @transform_5(%arg0: i32) -> i32 {
    %c0_i32 = arith.constant 0 : i32
    return %arg0 : i32
  }
  func.func @transform_6(%arg0: i32) -> i32 {
    %c0_i32 = arith.constant 0 : i32
    return %arg0 : i32
  }
  func.func @transform_7(%arg0: i32) -> (i32, i32) {
    %c0_i32 = arith.constant 0 : i32
    %c0_i32_0 = arith.constant 0 : i32
    return %arg0, %c0_i32 : i32, i32
  }
}

module attributes {stable_mosaic.version = 14 : i64} {
  func.func @_meta_body(%arg0: i32, %arg1: memref<4096xi32, #tpu.memory_space<vmem>>, %arg2: memref<4096xi32, #tpu.memory_space<vmem>>, %arg3: memref<4096xi32, #tpu.memory_space<vmem>>, %arg4: memref<4096xi32, #tpu.memory_space<vmem>>, %arg5: memref<2x128xi32, #tpu.memory_space<vmem>>, %arg6: memref<64xf32, #tpu.memory_space<vmem>>, %arg7: memref<8192xf32, #tpu.memory_space<vmem>>, %arg8: memref<2048x2048xbf16, #tpu.memory_space<vmem>>) attributes {dimension_semantics = [#tpu.dimension_semantics<arbitrary>], iteration_bounds = array<i64: 5>, scalar_prefetch = 0 : i64, scratch_operands = 3 : i64, tpu.core_type = #tpu.core_type<tc>, window_params = [{pipeline_mode = #tpu.pipeline_mode<synchronous>, transform_indices = @transform_0, window_bounds = array<i64: 4096>}, {pipeline_mode = #tpu.pipeline_mode<synchronous>, transform_indices = @transform_1, window_bounds = array<i64: 4096>}, {pipeline_mode = #tpu.pipeline_mode<synchronous>, transform_indices = @transform_2, window_bounds = array<i64: 4096>}, {pipeline_mode = #tpu.pipeline_mode<synchronous>, transform_indices = @transform_3, window_bounds = array<i64: 4096>}, {pipeline_mode = #tpu.pipeline_mode<synchronous>, transform_indices = @transform_4, window_bounds = array<i64: 2, 128>}]} {
    %eq3A = arith.constant 0 : i32
    %eq3A_0 = arith.cmpi eq, %arg0, %eq3A : i32
    %convert_element_type3A = arith.extui %eq3A_0 : i1 to i32
    %cond3A = arith.constant 0 : i32
    %cond3A_1 = arith.cmpi ne, %convert_element_type3A, %cond3A : i32
    scf.if %cond3A_1 {
      %broadcast_in_dim3A = arith.constant 0.000000e+00 : f32
      %broadcast_in_dim3A_11 = vector.broadcast %broadcast_in_dim3A : f32 to vector<64xf32>
      %swap3A = arith.constant 0 : index
      %swap3A_12 = vector.load %arg6[%swap3A] : memref<64xf32, #tpu.memory_space<vmem>>, vector<64xf32>
      tpu.vector_store %arg6[%swap3A], %broadcast_in_dim3A_11 {strides = array<i32>} : memref<64xf32, #tpu.memory_space<vmem>>, vector<64xf32>,
      %iota3A = tpu.iota {dimensions = array<i32: 0>} : vector<2048x2048xi32>
      %iota3A_13 = tpu.iota {dimensions = array<i32: 1>} : vector<2048x2048xi32>
      %lt3A_14 = arith.cmpi slt, %iota3A_13, %iota3A : vector<2048x2048xi32>
      %convert_element_type3A_15 = arith.extui %lt3A_14 : vector<2048x2048xi1> to vector<2048x2048xi32>
      %convert_element_type3A_16 = arith.sitofp %convert_element_type3A_15 : vector<2048x2048xi32> to vector<2048x2048xf32>
      %convert_element_type3A_17 = arith.truncf %convert_element_type3A_16 : vector<2048x2048xf32> to vector<2048x2048xbf16>
      %swap3A_18 = arith.constant 0 : index
      %swap3A_19 = arith.constant 0 : index
      %swap3A_20 = vector.load %arg8[%swap3A_18, %swap3A_19] : memref<2048x2048xbf16, #tpu.memory_space<vmem>>, vector<2048x2048xbf16>
      tpu.vector_store %arg8[%swap3A_18, %swap3A_19], %convert_element_type3A_17 {strides = array<i32>} : memref<2048x2048xbf16, #tpu.memory_space<vmem>>, vector<2048x2048xbf16>,
    } else {
    }
    %lt3A = arith.constant 4 : i32
    %lt3A_2 = arith.cmpi slt, %arg0, %lt3A : i32
    %convert_element_type3A_3 = arith.extui %lt3A_2 : i1 to i32
    %cond3A_4 = arith.constant 0 : i32
    %cond3A_5 = arith.cmpi ne, %convert_element_type3A_3, %cond3A_4 : i32
    scf.if %cond3A_5 {
      %lt3A_11 = arith.constant 2 : i32
      %lt3A_12 = arith.cmpi slt, %arg0, %lt3A_11 : i32
      %mul3A = arith.constant 2048 : i32
      %mul3A_13 = arith.muli %arg0, %mul3A : i32
      %jit3A = arith.constant 0 : i32
      %select_n3A = arith.select %lt3A_12, %mul3A_13, %jit3A : i32
      %lt3A_14 = arith.constant 2 : i32
      %lt3A_15 = arith.cmpi slt, %arg0, %lt3A_14 : i32
      %sub3A = arith.constant 2 : i32
      %sub3A_16 = arith.subi %arg0, %sub3A : i32
      %mul3A_17 = arith.constant 2048 : i32
      %mul3A_18 = arith.muli %sub3A_16, %mul3A_17 : i32
      %jit3A_19 = arith.constant 0 : i32
      %select_n3A_20 = arith.select %lt3A_15, %jit3A_19, %mul3A_18 : i32
      %get3A = arith.index_cast %select_n3A : i32 to index
      %get3A_21 = vector.load %arg1[%get3A] : memref<4096xi32, #tpu.memory_space<vmem>>, vector<2048xi32>
      %get3A_22 = arith.index_cast %select_n3A_20 : i32 to index
      %get3A_23 = vector.load %arg2[%get3A_22] : memref<4096xi32, #tpu.memory_space<vmem>>, vector<2048xi32>
      %lt3A_24 = arith.constant 2 : i32
      %lt3A_25 = arith.cmpi slt, %arg0, %lt3A_24 : i32
      %select_n3A_26 = arith.select %lt3A_25, %get3A_21, %get3A_23 : vector<2048xi32>
      %iota3A = tpu.iota {dimensions = array<i32: 1>} : vector<2048x64xi32>
      %broadcast_in_dim3A = vector.shape_cast %select_n3A_26 : vector<2048xi32> to vector<2048x1xi32>
      %eq3A_27 = vector.broadcast %broadcast_in_dim3A : vector<2048x1xi32> to vector<2048x64xi32>
      %eq3A_28 = arith.cmpi eq, %eq3A_27, %iota3A : vector<2048x64xi32>
      %convert_element_type3A_29 = arith.extui %eq3A_28 : vector<2048x64xi1> to vector<2048x64xi32>
      %convert_element_type3A_30 = arith.sitofp %convert_element_type3A_29 : vector<2048x64xi32> to vector<2048x64xf32>
      %convert_element_type3A_31 = arith.truncf %convert_element_type3A_30 : vector<2048x64xf32> to vector<2048x64xbf16>
      %convert_element_type3A_32 = arith.extf %convert_element_type3A_31 : vector<2048x64xbf16> to vector<2048x64xf32>
      %get3A_33 = arith.constant 0 : index
      %get3A_34 = arith.constant 0 : index
      %get3A_35 = vector.load %arg8[%get3A_33, %get3A_34] : memref<2048x2048xbf16, #tpu.memory_space<vmem>>, vector<2048x2048xbf16>
      %dot_general3A = arith.constant dense<0.000000e+00> : vector<2048x64xf32>
      %dot_general3A_36 = tpu.matmul %get3A_35, %convert_element_type3A_31, %dot_general3A {dimension_numbers = #tpu.dot_dimension_numbers<[1], [0], [0], [1], [0, 0, 1, 1], [], []>, transpose_lhs_hint = false} : vector<2048x2048xbf16>, vector<2048x64xbf16>, vector<2048x64xf32> -> vector<2048x64xf32>
      %get3A_37 = arith.constant 0 : index
      %get3A_38 = vector.load %arg6[%get3A_37] : memref<64xf32, #tpu.memory_space<vmem>>, vector<64xf32>
      %broadcast_in_dim3A_39 = vector.shape_cast %get3A_38 : vector<64xf32> to vector<1x64xf32>
      %add3A = vector.broadcast %broadcast_in_dim3A_39 : vector<1x64xf32> to vector<2048x64xf32>
      %add3A_40 = arith.addf %dot_general3A_36, %add3A : vector<2048x64xf32>
      %mul3A_41 = arith.mulf %convert_element_type3A_32, %add3A_40 : vector<2048x64xf32>
      %reduce_sum3A = arith.constant dense<0.000000e+00> : vector<2048xf32>
      %reduce_sum3A_42 = vector.multi_reduction <add>, %mul3A_41, %reduce_sum3A [1] : vector<2048x64xf32> to vector<2048xf32>
      %mul3A_43 = arith.constant 2048 : i32
      %mul3A_44 = arith.muli %arg0, %mul3A_43 : i32
      %swap3A = arith.index_cast %mul3A_44 : i32 to index
      %swap3A_45 = vector.load %arg7[%swap3A] : memref<8192xf32, #tpu.memory_space<vmem>>, vector<2048xf32>
      tpu.vector_store %arg7[%swap3A], %reduce_sum3A_42 {strides = array<i32>} : memref<8192xf32, #tpu.memory_space<vmem>>, vector<2048xf32>,
      %get3A_46 = arith.constant 0 : index
      %get3A_47 = vector.load %arg6[%get3A_46] : memref<64xf32, #tpu.memory_space<vmem>>, vector<64xf32>
      %reduce_sum3A_48 = arith.constant dense<0.000000e+00> : vector<64xf32>
      %reduce_sum3A_49 = vector.multi_reduction <add>, %convert_element_type3A_32, %reduce_sum3A_48 [0] : vector<2048x64xf32> to vector<64xf32>
      %add3A_50 = arith.addf %get3A_47, %reduce_sum3A_49 : vector<64xf32>
      %swap3A_51 = arith.constant 0 : index
      %swap3A_52 = vector.load %arg6[%swap3A_51] : memref<64xf32, #tpu.memory_space<vmem>>, vector<64xf32>
      tpu.vector_store %arg6[%swap3A_51], %add3A_50 {strides = array<i32>} : memref<64xf32, #tpu.memory_space<vmem>>, vector<64xf32>,
    } else {
    }
    %eq3A_6 = arith.constant 4 : i32
    %eq3A_7 = arith.cmpi eq, %arg0, %eq3A_6 : i32
    %convert_element_type3A_8 = arith.extui %eq3A_7 : i1 to i32
    %cond3A_9 = arith.constant 0 : i32
    %cond3A_10 = arith.cmpi ne, %convert_element_type3A_8, %cond3A_9 : i32
    scf.if %cond3A_10 {
      %get3A = arith.constant 0 : index
      %get3A_11 = vector.load %arg6[%get3A] : memref<64xf32, #tpu.memory_space<vmem>>, vector<64xf32>
      %add3A = arith.constant 1.270000e+02 : f32
      %add3A_12 = vector.broadcast %add3A : f32 to vector<64xf32>
      %add3A_13 = arith.addf %get3A_11, %add3A_12 : vector<64xf32>
      %div3A = arith.constant 1.280000e+02 : f32
      %div3A_14 = vector.broadcast %div3A : f32 to vector<64xf32>
      %div3A_15 = arith.divf %add3A_13, %div3A_14 : vector<64xf32>
      %floor3A = math.floor %div3A_15 : vector<64xf32>
      %mul3A = arith.constant 1.280000e+02 : f32
      %mul3A_16 = vector.broadcast %mul3A : f32 to vector<64xf32>
      %mul3A_17 = arith.mulf %floor3A, %mul3A_16 : vector<64xf32>
      %iota3A = tpu.iota {dimensions = array<i32: 0>} : vector<64x64xi32>
      %iota3A_18 = tpu.iota {dimensions = array<i32: 1>} : vector<64x64xi32>
      %lt3A_19 = arith.cmpi slt, %iota3A_18, %iota3A : vector<64x64xi32>
      %convert_element_type3A_20 = arith.extui %lt3A_19 : vector<64x64xi1> to vector<64x64xi32>
      %convert_element_type3A_21 = arith.sitofp %convert_element_type3A_20 : vector<64x64xi32> to vector<64x64xf32>
      %broadcast_in_dim3A = vector.shape_cast %mul3A_17 : vector<64xf32> to vector<64x1xf32>
      %dot_general3A = arith.constant dense<0.000000e+00> : vector<64x1xf32>
      %dot_general3A_22 = tpu.matmul %convert_element_type3A_21, %broadcast_in_dim3A, %dot_general3A {dimension_numbers = #tpu.dot_dimension_numbers<[1], [0], [0], [1], [0, 0, 1, 1], [], []>, transpose_lhs_hint = false} : vector<64x64xf32>, vector<64x1xf32>, vector<64x1xf32> -> vector<64x1xf32>
      %squeeze3A = vector.shape_cast %dot_general3A_22 : vector<64x1xf32> to vector<64xf32>
      %add3A_23 = arith.addf %squeeze3A, %mul3A_17 : vector<64xf32>
      %reduce_sum3A = vector.shape_cast %mul3A_17 : vector<64xf32> to vector<1x64xf32>
      %reduce_sum3A_24 = arith.constant dense<0.000000e+00> : vector<1xf32>
      %reduce_sum3A_25 = vector.multi_reduction <add>, %reduce_sum3A, %reduce_sum3A_24 [1] : vector<1x64xf32> to vector<1xf32>
      %reduce_sum3A_26 = vector.shape_cast %reduce_sum3A_25 : vector<1xf32> to vector<1x1xf32>
      %reduce_sum3A_27 = vector.extract %reduce_sum3A_26[0, 0] : f32 from vector<1x1xf32>
      %div3A_28 = arith.constant 1.280000e+02 : f32
      %div3A_29 = arith.divf %reduce_sum3A_27, %div3A_28 : f32
      %iota3A_30 = tpu.iota {dimensions = array<i32: 0>} : vector<128x64xi32>
      %convert_element_type3A_31 = arith.sitofp %iota3A_30 : vector<128x64xi32> to vector<128x64xf32>
      %mul3A_32 = arith.constant 1.280000e+02 : f32
      %mul3A_33 = vector.broadcast %mul3A_32 : f32 to vector<128x64xf32>
      %mul3A_34 = arith.mulf %convert_element_type3A_31, %mul3A_33 : vector<128x64xf32>
      %broadcast_in_dim3A_35 = vector.shape_cast %add3A_23 : vector<64xf32> to vector<1x64xf32>
      %ge3A = vector.broadcast %broadcast_in_dim3A_35 : vector<1x64xf32> to vector<128x64xf32>
      %ge3A_36 = arith.cmpf oge, %mul3A_34, %ge3A : vector<128x64xf32>
      %convert_element_type3A_37 = arith.extui %ge3A_36 : vector<128x64xi1> to vector<128x64xi32>
      %convert_element_type3A_38 = arith.sitofp %convert_element_type3A_37 : vector<128x64xi32> to vector<128x64xf32>
      %reduce_sum3A_39 = arith.constant dense<0.000000e+00> : vector<128xf32>
      %reduce_sum3A_40 = vector.multi_reduction <add>, %convert_element_type3A_38, %reduce_sum3A_39 [1] : vector<128x64xf32> to vector<128xf32>
      %iota3A_41 = tpu.iota {dimensions = array<i32: 1>} : vector<1x64xi32>
      %convert_element_type3A_42 = arith.sitofp %iota3A_41 : vector<1x64xi32> to vector<1x64xf32>
      %squeeze3A_43 = vector.shape_cast %convert_element_type3A_42 : vector<1x64xf32> to vector<64xf32>
      %gt3A = arith.constant 0.000000e+00 : f32
      %gt3A_44 = vector.broadcast %gt3A : f32 to vector<64xf32>
      %gt3A_45 = arith.cmpf ogt, %get3A_11, %gt3A_44 : vector<64xf32>
      %convert_element_type3A_46 = arith.extui %gt3A_45 : vector<64xi1> to vector<64xi32>
      %convert_element_type3A_47 = arith.sitofp %convert_element_type3A_46 : vector<64xi32> to vector<64xf32>
      %mul3A_48 = arith.mulf %squeeze3A_43, %convert_element_type3A_47 : vector<64xf32>
      %reduce_max3A = vector.shape_cast %mul3A_48 : vector<64xf32> to vector<1x64xf32>
      %reduce_max3A_49 = arith.constant dense<0xFF800000> : vector<1xf32>
      %reduce_max3A_50 = vector.multi_reduction <maximumf>, %reduce_max3A, %reduce_max3A_49 [1] : vector<1x64xf32> to vector<1xf32>
      %reduce_max3A_51 = vector.shape_cast %reduce_max3A_50 : vector<1xf32> to vector<1x1xf32>
      %reduce_max3A_52 = vector.extract %reduce_max3A_51[0, 0] : f32 from vector<1x1xf32>
      %min3A = vector.broadcast %reduce_max3A_52 : f32 to vector<128xf32>
      %min3A_53 = arith.minimumf %reduce_sum3A_40, %min3A : vector<128xf32>
      %convert_element_type3A_54 = arith.fptosi %min3A_53 : vector<128xf32> to vector<128xi32>
      %broadcast_in_dim3A_55 = vector.shape_cast %convert_element_type3A_54 : vector<128xi32> to vector<1x128xi32>
      %swap3A = arith.constant 0 : index
      %swap3A_56 = arith.constant 0 : index
      %swap3A_57 = vector.load %arg5[%swap3A, %swap3A_56] : memref<2x128xi32, #tpu.memory_space<vmem>>, vector<1x128xi32>
      tpu.vector_store %arg5[%swap3A, %swap3A_56], %broadcast_in_dim3A_55 {strides = array<i32>} : memref<2x128xi32, #tpu.memory_space<vmem>>, vector<1x128xi32>,
      %broadcast_in_dim3A_58 = arith.constant 0.000000e+00 : f32
      %broadcast_in_dim3A_59 = vector.broadcast %broadcast_in_dim3A_58 : f32 to vector<128xf32>
      %add3A_60 = vector.broadcast %div3A_29 : f32 to vector<128xf32>
      %add3A_61 = arith.addf %broadcast_in_dim3A_59, %add3A_60 : vector<128xf32>
      %convert_element_type3A_62 = arith.fptosi %add3A_61 : vector<128xf32> to vector<128xi32>
      %broadcast_in_dim3A_63 = vector.shape_cast %convert_element_type3A_62 : vector<128xi32> to vector<1x128xi32>
      %swap3A_64 = arith.constant 1 : index
      %swap3A_65 = arith.constant 0 : index
      %swap3A_66 = vector.load %arg5[%swap3A_64, %swap3A_65] : memref<2x128xi32, #tpu.memory_space<vmem>>, vector<1x128xi32>
      tpu.vector_store %arg5[%swap3A_64, %swap3A_65], %broadcast_in_dim3A_63 {strides = array<i32>} : memref<2x128xi32, #tpu.memory_space<vmem>>, vector<1x128xi32>,
      %iota3A_67 = tpu.iota {dimensions = array<i32: 1>} : vector<4096x64xi32>
      %get3A_68 = arith.constant 0 : index
      %get3A_69 = vector.load %arg1[%get3A_68] : memref<4096xi32, #tpu.memory_space<vmem>>, vector<4096xi32>
      %broadcast_in_dim3A_70 = vector.shape_cast %get3A_69 : vector<4096xi32> to vector<4096x1xi32>
      %eq3A_71 = vector.broadcast %broadcast_in_dim3A_70 : vector<4096x1xi32> to vector<4096x64xi32>
      %eq3A_72 = arith.cmpi eq, %eq3A_71, %iota3A_67 : vector<4096x64xi32>
      %convert_element_type3A_73 = arith.extui %eq3A_72 : vector<4096x64xi1> to vector<4096x64xi32>
      %convert_element_type3A_74 = arith.sitofp %convert_element_type3A_73 : vector<4096x64xi32> to vector<4096x64xf32>
      %get3A_75 = arith.constant 0 : index
      %get3A_76 = vector.load %arg2[%get3A_75] : memref<4096xi32, #tpu.memory_space<vmem>>, vector<4096xi32>
      %broadcast_in_dim3A_77 = vector.shape_cast %get3A_76 : vector<4096xi32> to vector<4096x1xi32>
      %eq3A_78 = vector.broadcast %broadcast_in_dim3A_77 : vector<4096x1xi32> to vector<4096x64xi32>
      %eq3A_79 = arith.cmpi eq, %eq3A_78, %iota3A_67 : vector<4096x64xi32>
      %convert_element_type3A_80 = arith.extui %eq3A_79 : vector<4096x64xi1> to vector<4096x64xi32>
      %convert_element_type3A_81 = arith.sitofp %convert_element_type3A_80 : vector<4096x64xi32> to vector<4096x64xf32>
      %broadcast_in_dim3A_82 = vector.shape_cast %squeeze3A : vector<64xf32> to vector<1x64xf32>
      %mul3A_83 = vector.broadcast %broadcast_in_dim3A_82 : vector<1x64xf32> to vector<4096x64xf32>
      %mul3A_84 = arith.mulf %convert_element_type3A_74, %mul3A_83 : vector<4096x64xf32>
      %reduce_sum3A_85 = arith.constant dense<0.000000e+00> : vector<4096xf32>
      %reduce_sum3A_86 = vector.multi_reduction <add>, %mul3A_84, %reduce_sum3A_85 [1] : vector<4096x64xf32> to vector<4096xf32>
      %get3A_87 = arith.constant 0 : index
      %get3A_88 = vector.load %arg7[%get3A_87] : memref<8192xf32, #tpu.memory_space<vmem>>, vector<4096xf32>
      %add3A_89 = arith.addf %reduce_sum3A_86, %get3A_88 : vector<4096xf32>
      %broadcast_in_dim3A_90 = vector.shape_cast %squeeze3A : vector<64xf32> to vector<1x64xf32>
      %mul3A_91 = vector.broadcast %broadcast_in_dim3A_90 : vector<1x64xf32> to vector<4096x64xf32>
      %mul3A_92 = arith.mulf %convert_element_type3A_81, %mul3A_91 : vector<4096x64xf32>
      %reduce_sum3A_93 = arith.constant dense<0.000000e+00> : vector<4096xf32>
      %reduce_sum3A_94 = vector.multi_reduction <add>, %mul3A_92, %reduce_sum3A_93 [1] : vector<4096x64xf32> to vector<4096xf32>
      %get3A_95 = arith.constant 4096 : index
      %get3A_96 = vector.load %arg7[%get3A_95] : memref<8192xf32, #tpu.memory_space<vmem>>, vector<4096xf32>
      %add3A_97 = arith.addf %reduce_sum3A_94, %get3A_96 : vector<4096xf32>
      %convert_element_type3A_98 = arith.fptosi %add3A_89 : vector<4096xf32> to vector<4096xi32>
      %swap3A_99 = arith.constant 0 : index
      %swap3A_100 = vector.load %arg3[%swap3A_99] : memref<4096xi32, #tpu.memory_space<vmem>>, vector<4096xi32>
      tpu.vector_store %arg3[%swap3A_99], %convert_element_type3A_98 {strides = array<i32>} : memref<4096xi32, #tpu.memory_space<vmem>>, vector<4096xi32>,
      %convert_element_type3A_101 = arith.fptosi %add3A_97 : vector<4096xf32> to vector<4096xi32>
      %swap3A_102 = arith.constant 0 : index
      %swap3A_103 = vector.load %arg4[%swap3A_102] : memref<4096xi32, #tpu.memory_space<vmem>>, vector<4096xi32>
      tpu.vector_store %arg4[%swap3A_102], %convert_element_type3A_101 {strides = array<i32>} : memref<4096xi32, #tpu.memory_space<vmem>>, vector<4096xi32>,
    } else {
    }
    return
  }
  func.func @transform_0(%arg0: i32) -> i32 {
    %c0_i32 = arith.constant 0 : i32
    %c0_i32_0 = arith.constant 0 : i32
    return %c0_i32 : i32
  }
  func.func @transform_1(%arg0: i32) -> i32 {
    %c0_i32 = arith.constant 0 : i32
    %c0_i32_0 = arith.constant 0 : i32
    return %c0_i32 : i32
  }
  func.func @transform_2(%arg0: i32) -> i32 {
    %c0_i32 = arith.constant 0 : i32
    %c0_i32_0 = arith.constant 0 : i32
    return %c0_i32 : i32
  }
  func.func @transform_3(%arg0: i32) -> i32 {
    %c0_i32 = arith.constant 0 : i32
    %c0_i32_0 = arith.constant 0 : i32
    return %c0_i32 : i32
  }
  func.func @transform_4(%arg0: i32) -> (i32, i32) {
    %c0_i32 = arith.constant 0 : i32
    %c0_i32_0 = arith.constant 0 : i32
    %c0_i32_1 = arith.constant 0 : i32
    return %c0_i32, %c0_i32_0 : i32, i32
  }
}

module attributes {stable_mosaic.version = 14 : i64} {
  func.func @_shared_body(%arg0: i32, %arg1: memref<512x768xf32, #tpu.memory_space<vmem>>, %arg2: memref<2x512x768xf32, #tpu.memory_space<vmem>>, %arg3: memref<2x768x512xf32, #tpu.memory_space<vmem>>, %arg4: memref<2x512x768xf32, #tpu.memory_space<vmem>>, %arg5: memref<512x384xi32, #tpu.memory_space<vmem>>) attributes {dimension_semantics = [#tpu.dimension_semantics<arbitrary>], iteration_bounds = array<i64: 8>, scalar_prefetch = 0 : i64, scratch_operands = 0 : i64, tpu.core_type = #tpu.core_type<tc>, window_params = [{transform_indices = @transform_0, window_bounds = array<i64: 512, 768>}, {pipeline_mode = #tpu.pipeline_mode<synchronous>, transform_indices = @transform_1, window_bounds = array<i64: 2, 512, 768>}, {pipeline_mode = #tpu.pipeline_mode<synchronous>, transform_indices = @transform_2, window_bounds = array<i64: 2, 768, 512>}, {pipeline_mode = #tpu.pipeline_mode<synchronous>, transform_indices = @transform_3, window_bounds = array<i64: 2, 512, 768>}, {transform_indices = @transform_4, window_bounds = array<i64: 512, 384>}]} {
    %get3A = arith.constant 0 : index
    %get3A_0 = arith.constant 0 : index
    %get3A_1 = vector.load %arg1[%get3A, %get3A_0] : memref<512x768xf32, #tpu.memory_space<vmem>>, vector<512x768xf32>
    %convert_element_type3A = arith.truncf %get3A_1 : vector<512x768xf32> to vector<512x768xbf16>
    %broadcast_in_dim3A = arith.constant 0.000000e+00 : f32
    %broadcast_in_dim3A_2 = vector.broadcast %broadcast_in_dim3A : f32 to vector<512x768xf32>
    %get3A_3 = arith.constant 0 : index
    %get3A_4 = arith.constant 0 : index
    %get3A_5 = arith.constant 0 : index
    %get3A_6 = vector.load %arg2[%get3A_3, %get3A_4, %get3A_5] : memref<2x512x768xf32, #tpu.memory_space<vmem>>, vector<1x512x768xf32>
    %get3A_7 = vector.shape_cast %get3A_6 : vector<1x512x768xf32> to vector<512x768xf32>
    %convert_element_type3A_8 = arith.truncf %get3A_7 : vector<512x768xf32> to vector<512x768xbf16>
    %dot_general3A = arith.constant dense<0.000000e+00> : vector<512x512xf32>
    %dot_general3A_9 = tpu.matmul %convert_element_type3A, %convert_element_type3A_8, %dot_general3A {dimension_numbers = #tpu.dot_dimension_numbers<[1], [1], [0], [0], [0, 0, 1, 0], [], []>, transpose_lhs_hint = false} : vector<512x768xbf16>, vector<512x768xbf16>, vector<512x512xf32> -> vector<512x512xf32>
    %get3A_10 = arith.constant 0 : index
    %get3A_11 = arith.constant 0 : index
    %get3A_12 = arith.constant 0 : index
    %get3A_13 = vector.load %arg4[%get3A_10, %get3A_11, %get3A_12] : memref<2x512x768xf32, #tpu.memory_space<vmem>>, vector<1x512x768xf32>
    %get3A_14 = vector.shape_cast %get3A_13 : vector<1x512x768xf32> to vector<512x768xf32>
    %convert_element_type3A_15 = arith.truncf %get3A_14 : vector<512x768xf32> to vector<512x768xbf16>
    %dot_general3A_16 = arith.constant dense<0.000000e+00> : vector<512x512xf32>
    %dot_general3A_17 = tpu.matmul %convert_element_type3A, %convert_element_type3A_15, %dot_general3A_16 {dimension_numbers = #tpu.dot_dimension_numbers<[1], [1], [0], [0], [0, 0, 1, 0], [], []>, transpose_lhs_hint = false} : vector<512x768xbf16>, vector<512x768xbf16>, vector<512x512xf32> -> vector<512x512xf32>
    %logistic3A = arith.negf %dot_general3A_9 : vector<512x512xf32>
    %logistic3A_18 = math.exp %logistic3A : vector<512x512xf32>
    %logistic3A_19 = arith.constant 1.000000e+00 : f32
    %logistic3A_20 = vector.broadcast %logistic3A_19 : f32 to vector<512x512xf32>
    %logistic3A_21 = arith.addf %logistic3A_20, %logistic3A_18 : vector<512x512xf32>
    %logistic3A_22 = arith.divf %logistic3A_20, %logistic3A_21 : vector<512x512xf32>
    %mul3A = arith.mulf %dot_general3A_9, %logistic3A_22 : vector<512x512xf32>
    %mul3A_23 = arith.mulf %mul3A, %dot_general3A_17 : vector<512x512xf32>
    %convert_element_type3A_24 = arith.truncf %mul3A_23 : vector<512x512xf32> to vector<512x512xbf16>
    %get3A_25 = arith.constant 0 : index
    %get3A_26 = arith.constant 0 : index
    %get3A_27 = arith.constant 0 : index
    %get3A_28 = vector.load %arg3[%get3A_25, %get3A_26, %get3A_27] : memref<2x768x512xf32, #tpu.memory_space<vmem>>, vector<1x768x512xf32>
    %get3A_29 = vector.shape_cast %get3A_28 : vector<1x768x512xf32> to vector<768x512xf32>
    %convert_element_type3A_30 = arith.truncf %get3A_29 : vector<768x512xf32> to vector<768x512xbf16>
    %dot_general3A_31 = arith.constant dense<0.000000e+00> : vector<512x768xf32>
    %dot_general3A_32 = tpu.matmul %convert_element_type3A_24, %convert_element_type3A_30, %dot_general3A_31 {dimension_numbers = #tpu.dot_dimension_numbers<[1], [1], [0], [0], [0, 0, 1, 0], [], []>, transpose_lhs_hint = false} : vector<512x512xbf16>, vector<768x512xbf16>, vector<512x768xf32> -> vector<512x768xf32>
    %add3A = arith.addf %broadcast_in_dim3A_2, %dot_general3A_32 : vector<512x768xf32>
    %get3A_33 = arith.constant 1 : index
    %get3A_34 = arith.constant 0 : index
    %get3A_35 = arith.constant 0 : index
    %get3A_36 = vector.load %arg2[%get3A_33, %get3A_34, %get3A_35] : memref<2x512x768xf32, #tpu.memory_space<vmem>>, vector<1x512x768xf32>
    %get3A_37 = vector.shape_cast %get3A_36 : vector<1x512x768xf32> to vector<512x768xf32>
    %convert_element_type3A_38 = arith.truncf %get3A_37 : vector<512x768xf32> to vector<512x768xbf16>
    %dot_general3A_39 = arith.constant dense<0.000000e+00> : vector<512x512xf32>
    %dot_general3A_40 = tpu.matmul %convert_element_type3A, %convert_element_type3A_38, %dot_general3A_39 {dimension_numbers = #tpu.dot_dimension_numbers<[1], [1], [0], [0], [0, 0, 1, 0], [], []>, transpose_lhs_hint = false} : vector<512x768xbf16>, vector<512x768xbf16>, vector<512x512xf32> -> vector<512x512xf32>
    %get3A_41 = arith.constant 1 : index
    %get3A_42 = arith.constant 0 : index
    %get3A_43 = arith.constant 0 : index
    %get3A_44 = vector.load %arg4[%get3A_41, %get3A_42, %get3A_43] : memref<2x512x768xf32, #tpu.memory_space<vmem>>, vector<1x512x768xf32>
    %get3A_45 = vector.shape_cast %get3A_44 : vector<1x512x768xf32> to vector<512x768xf32>
    %convert_element_type3A_46 = arith.truncf %get3A_45 : vector<512x768xf32> to vector<512x768xbf16>
    %dot_general3A_47 = arith.constant dense<0.000000e+00> : vector<512x512xf32>
    %dot_general3A_48 = tpu.matmul %convert_element_type3A, %convert_element_type3A_46, %dot_general3A_47 {dimension_numbers = #tpu.dot_dimension_numbers<[1], [1], [0], [0], [0, 0, 1, 0], [], []>, transpose_lhs_hint = false} : vector<512x768xbf16>, vector<512x768xbf16>, vector<512x512xf32> -> vector<512x512xf32>
    %logistic3A_49 = arith.negf %dot_general3A_40 : vector<512x512xf32>
    %logistic3A_50 = math.exp %logistic3A_49 : vector<512x512xf32>
    %logistic3A_51 = arith.constant 1.000000e+00 : f32
    %logistic3A_52 = vector.broadcast %logistic3A_51 : f32 to vector<512x512xf32>
    %logistic3A_53 = arith.addf %logistic3A_52, %logistic3A_50 : vector<512x512xf32>
    %logistic3A_54 = arith.divf %logistic3A_52, %logistic3A_53 : vector<512x512xf32>
    %mul3A_55 = arith.mulf %dot_general3A_40, %logistic3A_54 : vector<512x512xf32>
    %mul3A_56 = arith.mulf %mul3A_55, %dot_general3A_48 : vector<512x512xf32>
    %convert_element_type3A_57 = arith.truncf %mul3A_56 : vector<512x512xf32> to vector<512x512xbf16>
    %get3A_58 = arith.constant 1 : index
    %get3A_59 = arith.constant 0 : index
    %get3A_60 = arith.constant 0 : index
    %get3A_61 = vector.load %arg3[%get3A_58, %get3A_59, %get3A_60] : memref<2x768x512xf32, #tpu.memory_space<vmem>>, vector<1x768x512xf32>
    %get3A_62 = vector.shape_cast %get3A_61 : vector<1x768x512xf32> to vector<768x512xf32>
    %convert_element_type3A_63 = arith.truncf %get3A_62 : vector<768x512xf32> to vector<768x512xbf16>
    %dot_general3A_64 = arith.constant dense<0.000000e+00> : vector<512x768xf32>
    %dot_general3A_65 = tpu.matmul %convert_element_type3A_57, %convert_element_type3A_63, %dot_general3A_64 {dimension_numbers = #tpu.dot_dimension_numbers<[1], [1], [0], [0], [0, 0, 1, 0], [], []>, transpose_lhs_hint = false} : vector<512x512xbf16>, vector<768x512xbf16>, vector<512x768xf32> -> vector<512x768xf32>
    %add3A_66 = arith.addf %add3A, %dot_general3A_65 : vector<512x768xf32>
    %convert_element_type3A_67 = arith.truncf %add3A_66 : vector<512x768xf32> to vector<512x768xbf16>
    %convert_element_type3A_68 = arith.extf %convert_element_type3A_67 : vector<512x768xbf16> to vector<512x768xf32>
    %bitcast_convert_type3A = tpu.bitcast %convert_element_type3A_68 : vector<512x768xf32> -> vector<512x768xi32>
    %slice3A = vector.extract_strided_slice %bitcast_convert_type3A {offsets = [0, 0], sizes = [512, 384], strides = [1, 1]} : vector<512x768xi32> to vector<512x384xi32>
    %and3A = arith.constant -65536 : i32
    %and3A_69 = vector.broadcast %and3A : i32 to vector<512x384xi32>
    %and3A_70 = arith.andi %slice3A, %and3A_69 : vector<512x384xi32>
    %slice3A_71 = vector.extract_strided_slice %bitcast_convert_type3A {offsets = [0, 384], sizes = [512, 384], strides = [1, 1]} : vector<512x768xi32> to vector<512x384xi32>
    %shift_right_logical3A = arith.constant 16 : i32
    %shift_right_logical3A_72 = vector.broadcast %shift_right_logical3A : i32 to vector<512x384xi32>
    %shift_right_logical3A_73 = arith.shrui %slice3A_71, %shift_right_logical3A_72 : vector<512x384xi32>
    %or3A = arith.ori %and3A_70, %shift_right_logical3A_73 : vector<512x384xi32>
    %bitcast_convert_type3A_74 = tpu.bitcast %or3A : vector<512x384xi32> -> vector<512x384xi32>
    %swap3A = arith.constant 0 : index
    %swap3A_75 = arith.constant 0 : index
    %swap3A_76 = vector.load %arg5[%swap3A, %swap3A_75] : memref<512x384xi32, #tpu.memory_space<vmem>>, vector<512x384xi32>
    tpu.vector_store %arg5[%swap3A, %swap3A_75], %bitcast_convert_type3A_74 {strides = array<i32>} : memref<512x384xi32, #tpu.memory_space<vmem>>, vector<512x384xi32>,
    return
  }
  func.func @transform_0(%arg0: i32) -> (i32, i32) {
    %c0_i32 = arith.constant 0 : i32
    %c0_i32_0 = arith.constant 0 : i32
    return %arg0, %c0_i32 : i32, i32
  }
  func.func @transform_1(%arg0: i32) -> (i32, i32, i32) {
    %c0_i32 = arith.constant 0 : i32
    %c0_i32_0 = arith.constant 0 : i32
    %c0_i32_1 = arith.constant 0 : i32
    %c0_i32_2 = arith.constant 0 : i32
    return %c0_i32, %c0_i32_0, %c0_i32_1 : i32, i32, i32
  }
  func.func @transform_2(%arg0: i32) -> (i32, i32, i32) {
    %c0_i32 = arith.constant 0 : i32
    %c0_i32_0 = arith.constant 0 : i32
    %c0_i32_1 = arith.constant 0 : i32
    %c0_i32_2 = arith.constant 0 : i32
    return %c0_i32, %c0_i32_0, %c0_i32_1 : i32, i32, i32
  }
  func.func @transform_3(%arg0: i32) -> (i32, i32, i32) {
    %c0_i32 = arith.constant 0 : i32
    %c0_i32_0 = arith.constant 0 : i32
    %c0_i32_1 = arith.constant 0 : i32
    %c0_i32_2 = arith.constant 0 : i32
    return %c0_i32, %c0_i32_0, %c0_i32_1 : i32, i32, i32
  }
  func.func @transform_4(%arg0: i32) -> (i32, i32) {
    %c0_i32 = arith.constant 0 : i32
    %c0_i32_0 = arith.constant 0 : i32
    return %arg0, %c0_i32 : i32, i32
  }
}

module attributes {stable_mosaic.version = 14 : i64} {
  func.func @_ffn_body(%arg0: i32, %arg1: memref<128xi32, #tpu.memory_space<smem>>, %arg2: memref<1xi32, #tpu.memory_space<smem>>, %arg3: memref<128x384xi32, #tpu.memory_space<vmem>>, %arg4: memref<1x512x768xf32, #tpu.memory_space<vmem>>, %arg5: memref<1x768x512xf32, #tpu.memory_space<vmem>>, %arg6: memref<1x512x768xf32, #tpu.memory_space<vmem>>, %arg7: memref<128x384xi32, #tpu.memory_space<vmem>>) attributes {dimension_semantics = [#tpu.dimension_semantics<arbitrary>], iteration_bounds = array<i64: 128>, scalar_prefetch = 2 : i64, scratch_operands = 0 : i64, tpu.core_type = #tpu.core_type<tc>, window_params = [{transform_indices = @transform_0, window_bounds = array<i64: 128, 384>}, {transform_indices = @transform_1, window_bounds = array<i64: 1, 512, 768>}, {transform_indices = @transform_2, window_bounds = array<i64: 1, 768, 512>}, {transform_indices = @transform_3, window_bounds = array<i64: 1, 512, 768>}, {transform_indices = @transform_4, window_bounds = array<i64: 128, 384>}]} {
    %get3A = arith.constant 0 : index
    %get3A_0 = memref.load %arg2[%get3A] : memref<1xi32, #tpu.memory_space<smem>>
    %lt3A = arith.cmpi slt, %arg0, %get3A_0 : i32
    %eq3A = arith.constant 127 : i32
    %eq3A_1 = arith.cmpi eq, %arg0, %eq3A : i32
    %or3A = arith.ori %lt3A, %eq3A_1 : i1
    %convert_element_type3A = arith.extui %or3A : i1 to i32
    %cond3A = arith.constant 0 : i32
    %cond3A_2 = arith.cmpi ne, %convert_element_type3A, %cond3A : i32
    scf.if %cond3A_2 {
      %get3A_3 = arith.constant 0 : index
      %get3A_4 = arith.constant 0 : index
      %get3A_5 = vector.load %arg3[%get3A_3, %get3A_4] : memref<128x384xi32, #tpu.memory_space<vmem>>, vector<128x384xi32>
      %bitcast_convert_type3A = tpu.bitcast %get3A_5 : vector<128x384xi32> -> vector<128x384xi32>
      %and3A = arith.constant -65536 : i32
      %and3A_6 = vector.broadcast %and3A : i32 to vector<128x384xi32>
      %and3A_7 = arith.andi %bitcast_convert_type3A, %and3A_6 : vector<128x384xi32>
      %bitcast_convert_type3A_8 = tpu.bitcast %and3A_7 : vector<128x384xi32> -> vector<128x384xf32>
      %shift_left3A = arith.constant 16 : i32
      %shift_left3A_9 = vector.broadcast %shift_left3A : i32 to vector<128x384xi32>
      %shift_left3A_10 = arith.shli %bitcast_convert_type3A, %shift_left3A_9 : vector<128x384xi32>
      %bitcast_convert_type3A_11 = tpu.bitcast %shift_left3A_10 : vector<128x384xi32> -> vector<128x384xf32>
      %concatenate3A = tpu.concatenate %bitcast_convert_type3A_8, %bitcast_convert_type3A_11 in 1 : vector<128x384xf32>, vector<128x384xf32> -> vector<128x768xf32>
      %convert_element_type3A_12 = arith.truncf %concatenate3A : vector<128x768xf32> to vector<128x768xbf16>
      %get3A_13 = arith.constant 0 : index
      %get3A_14 = arith.constant 0 : index
      %get3A_15 = arith.constant 0 : index
      %get3A_16 = vector.load %arg4[%get3A_13, %get3A_14, %get3A_15] : memref<1x512x768xf32, #tpu.memory_space<vmem>>, vector<1x512x768xf32>
      %get3A_17 = vector.shape_cast %get3A_16 : vector<1x512x768xf32> to vector<512x768xf32>
      %convert_element_type3A_18 = arith.truncf %get3A_17 : vector<512x768xf32> to vector<512x768xbf16>
      %dot_general3A = arith.constant dense<0.000000e+00> : vector<128x512xf32>
      %dot_general3A_19 = tpu.matmul %convert_element_type3A_12, %convert_element_type3A_18, %dot_general3A {dimension_numbers = #tpu.dot_dimension_numbers<[1], [1], [0], [0], [0, 0, 1, 0], [], []>, transpose_lhs_hint = false} : vector<128x768xbf16>, vector<512x768xbf16>, vector<128x512xf32> -> vector<128x512xf32>
      %get3A_20 = arith.constant 0 : index
      %get3A_21 = arith.constant 0 : index
      %get3A_22 = arith.constant 0 : index
      %get3A_23 = vector.load %arg6[%get3A_20, %get3A_21, %get3A_22] : memref<1x512x768xf32, #tpu.memory_space<vmem>>, vector<1x512x768xf32>
      %get3A_24 = vector.shape_cast %get3A_23 : vector<1x512x768xf32> to vector<512x768xf32>
      %convert_element_type3A_25 = arith.truncf %get3A_24 : vector<512x768xf32> to vector<512x768xbf16>
      %dot_general3A_26 = arith.constant dense<0.000000e+00> : vector<128x512xf32>
      %dot_general3A_27 = tpu.matmul %convert_element_type3A_12, %convert_element_type3A_25, %dot_general3A_26 {dimension_numbers = #tpu.dot_dimension_numbers<[1], [1], [0], [0], [0, 0, 1, 0], [], []>, transpose_lhs_hint = false} : vector<128x768xbf16>, vector<512x768xbf16>, vector<128x512xf32> -> vector<128x512xf32>
      %logistic3A = arith.negf %dot_general3A_19 : vector<128x512xf32>
      %logistic3A_28 = math.exp %logistic3A : vector<128x512xf32>
      %logistic3A_29 = arith.constant 1.000000e+00 : f32
      %logistic3A_30 = vector.broadcast %logistic3A_29 : f32 to vector<128x512xf32>
      %logistic3A_31 = arith.addf %logistic3A_30, %logistic3A_28 : vector<128x512xf32>
      %logistic3A_32 = arith.divf %logistic3A_30, %logistic3A_31 : vector<128x512xf32>
      %mul3A = arith.mulf %dot_general3A_19, %logistic3A_32 : vector<128x512xf32>
      %mul3A_33 = arith.mulf %mul3A, %dot_general3A_27 : vector<128x512xf32>
      %convert_element_type3A_34 = arith.truncf %mul3A_33 : vector<128x512xf32> to vector<128x512xbf16>
      %get3A_35 = arith.constant 0 : index
      %get3A_36 = arith.constant 0 : index
      %get3A_37 = arith.constant 0 : index
      %get3A_38 = vector.load %arg5[%get3A_35, %get3A_36, %get3A_37] : memref<1x768x512xf32, #tpu.memory_space<vmem>>, vector<1x768x512xf32>
      %get3A_39 = vector.shape_cast %get3A_38 : vector<1x768x512xf32> to vector<768x512xf32>
      %convert_element_type3A_40 = arith.truncf %get3A_39 : vector<768x512xf32> to vector<768x512xbf16>
      %dot_general3A_41 = arith.constant dense<0.000000e+00> : vector<128x768xf32>
      %dot_general3A_42 = tpu.matmul %convert_element_type3A_34, %convert_element_type3A_40, %dot_general3A_41 {dimension_numbers = #tpu.dot_dimension_numbers<[1], [1], [0], [0], [0, 0, 1, 0], [], []>, transpose_lhs_hint = false} : vector<128x512xbf16>, vector<768x512xbf16>, vector<128x768xf32> -> vector<128x768xf32>
      %convert_element_type3A_43 = arith.truncf %dot_general3A_42 : vector<128x768xf32> to vector<128x768xbf16>
      %convert_element_type3A_44 = arith.extf %convert_element_type3A_43 : vector<128x768xbf16> to vector<128x768xf32>
      %bitcast_convert_type3A_45 = tpu.bitcast %convert_element_type3A_44 : vector<128x768xf32> -> vector<128x768xi32>
      %slice3A = vector.extract_strided_slice %bitcast_convert_type3A_45 {offsets = [0, 0], sizes = [128, 384], strides = [1, 1]} : vector<128x768xi32> to vector<128x384xi32>
      %and3A_46 = arith.constant -65536 : i32
      %and3A_47 = vector.broadcast %and3A_46 : i32 to vector<128x384xi32>
      %and3A_48 = arith.andi %slice3A, %and3A_47 : vector<128x384xi32>
      %slice3A_49 = vector.extract_strided_slice %bitcast_convert_type3A_45 {offsets = [0, 384], sizes = [128, 384], strides = [1, 1]} : vector<128x768xi32> to vector<128x384xi32>
      %shift_right_logical3A = arith.constant 16 : i32
      %shift_right_logical3A_50 = vector.broadcast %shift_right_logical3A : i32 to vector<128x384xi32>
      %shift_right_logical3A_51 = arith.shrui %slice3A_49, %shift_right_logical3A_50 : vector<128x384xi32>
      %or3A_52 = arith.ori %and3A_48, %shift_right_logical3A_51 : vector<128x384xi32>
      %bitcast_convert_type3A_53 = tpu.bitcast %or3A_52 : vector<128x384xi32> -> vector<128x384xi32>
      %swap3A = arith.constant 0 : index
      %swap3A_54 = arith.constant 0 : index
      %swap3A_55 = vector.load %arg7[%swap3A, %swap3A_54] : memref<128x384xi32, #tpu.memory_space<vmem>>, vector<128x384xi32>
      tpu.vector_store %arg7[%swap3A, %swap3A_54], %bitcast_convert_type3A_53 {strides = array<i32>} : memref<128x384xi32, #tpu.memory_space<vmem>>, vector<128x384xi32>,
    } else {
    }
    return
  }
  func.func @transform_0(%arg0: i32, %arg1: memref<128xi32, #tpu.memory_space<smem>>, %arg2: memref<1xi32, #tpu.memory_space<smem>>) -> (i32, i32) {
    %get3A = arith.constant 0 : index
    %get3A_0 = memref.load %arg2[%get3A] : memref<1xi32, #tpu.memory_space<smem>>
    %sub3A = arith.constant 1 : i32
    %sub3A_1 = arith.subi %get3A_0, %sub3A : i32
    %min3A = arith.minsi %arg0, %sub3A_1 : i32
    %c0_i32 = arith.constant 0 : i32
    %c0_i32_2 = arith.constant 0 : i32
    return %min3A, %c0_i32 : i32, i32
  }
  func.func @transform_1(%arg0: i32, %arg1: memref<128xi32, #tpu.memory_space<smem>>, %arg2: memref<1xi32, #tpu.memory_space<smem>>) -> (i32, i32, i32) {
    %get3A = arith.index_cast %arg0 : i32 to index
    %get3A_0 = memref.load %arg1[%get3A] : memref<128xi32, #tpu.memory_space<smem>>
    %c0_i32 = arith.constant 0 : i32
    %c0_i32_1 = arith.constant 0 : i32
    %c0_i32_2 = arith.constant 0 : i32
    return %get3A_0, %c0_i32, %c0_i32_1 : i32, i32, i32
  }
  func.func @transform_2(%arg0: i32, %arg1: memref<128xi32, #tpu.memory_space<smem>>, %arg2: memref<1xi32, #tpu.memory_space<smem>>) -> (i32, i32, i32) {
    %get3A = arith.index_cast %arg0 : i32 to index
    %get3A_0 = memref.load %arg1[%get3A] : memref<128xi32, #tpu.memory_space<smem>>
    %c0_i32 = arith.constant 0 : i32
    %c0_i32_1 = arith.constant 0 : i32
    %c0_i32_2 = arith.constant 0 : i32
    return %get3A_0, %c0_i32, %c0_i32_1 : i32, i32, i32
  }
  func.func @transform_3(%arg0: i32, %arg1: memref<128xi32, #tpu.memory_space<smem>>, %arg2: memref<1xi32, #tpu.memory_space<smem>>) -> (i32, i32, i32) {
    %get3A = arith.index_cast %arg0 : i32 to index
    %get3A_0 = memref.load %arg1[%get3A] : memref<128xi32, #tpu.memory_space<smem>>
    %c0_i32 = arith.constant 0 : i32
    %c0_i32_1 = arith.constant 0 : i32
    %c0_i32_2 = arith.constant 0 : i32
    return %get3A_0, %c0_i32, %c0_i32_1 : i32, i32, i32
  }
  func.func @transform_4(%arg0: i32, %arg1: memref<128xi32, #tpu.memory_space<smem>>, %arg2: memref<1xi32, #tpu.memory_space<smem>>) -> (i32, i32) {
    %get3A = arith.constant 0 : index
    %get3A_0 = memref.load %arg2[%get3A] : memref<1xi32, #tpu.memory_space<smem>>
    %sub3A = arith.constant 1 : i32
    %sub3A_1 = arith.subi %get3A_0, %sub3A : i32
    %min3A = arith.minsi %arg0, %sub3A_1 : i32
    %c0_i32 = arith.constant 0 : i32
    %c0_i32_2 = arith.constant 0 : i32
    return %min3A, %c0_i32 : i32, i32
  }
}

module attributes {stable_mosaic.version = 14 : i64} {
  func.func @_combine_body(%arg0: i32, %arg1: memref<512x384xi32, #tpu.memory_space<vmem>>, %arg2: memref<512x384xi32, #tpu.memory_space<vmem>>, %arg3: memref<512x384xi32, #tpu.memory_space<vmem>>, %arg4: memref<512xf32, #tpu.memory_space<vmem>>, %arg5: memref<512xf32, #tpu.memory_space<vmem>>, %arg6: memref<512x768xf32, #tpu.memory_space<vmem>>) attributes {dimension_semantics = [#tpu.dimension_semantics<arbitrary>], iteration_bounds = array<i64: 8>, scalar_prefetch = 0 : i64, scratch_operands = 0 : i64, tpu.core_type = #tpu.core_type<tc>, window_params = [{transform_indices = @transform_0, window_bounds = array<i64: 512, 384>}, {transform_indices = @transform_1, window_bounds = array<i64: 512, 384>}, {transform_indices = @transform_2, window_bounds = array<i64: 512, 384>}, {transform_indices = @transform_3, window_bounds = array<i64: 512>}, {transform_indices = @transform_4, window_bounds = array<i64: 512>}, {transform_indices = @transform_5, window_bounds = array<i64: 512, 768>}]} {
    %get3A = arith.constant 0 : index
    %get3A_0 = arith.constant 0 : index
    %get3A_1 = vector.load %arg1[%get3A, %get3A_0] : memref<512x384xi32, #tpu.memory_space<vmem>>, vector<512x384xi32>
    %bitcast_convert_type3A = tpu.bitcast %get3A_1 : vector<512x384xi32> -> vector<512x384xi32>
    %and3A = arith.constant -65536 : i32
    %and3A_2 = vector.broadcast %and3A : i32 to vector<512x384xi32>
    %and3A_3 = arith.andi %bitcast_convert_type3A, %and3A_2 : vector<512x384xi32>
    %bitcast_convert_type3A_4 = tpu.bitcast %and3A_3 : vector<512x384xi32> -> vector<512x384xf32>
    %shift_left3A = arith.constant 16 : i32
    %shift_left3A_5 = vector.broadcast %shift_left3A : i32 to vector<512x384xi32>
    %shift_left3A_6 = arith.shli %bitcast_convert_type3A, %shift_left3A_5 : vector<512x384xi32>
    %bitcast_convert_type3A_7 = tpu.bitcast %shift_left3A_6 : vector<512x384xi32> -> vector<512x384xf32>
    %concatenate3A = tpu.concatenate %bitcast_convert_type3A_4, %bitcast_convert_type3A_7 in 1 : vector<512x384xf32>, vector<512x384xf32> -> vector<512x768xf32>
    %get3A_8 = arith.constant 0 : index
    %get3A_9 = vector.load %arg4[%get3A_8] : memref<512xf32, #tpu.memory_space<vmem>>, vector<512xf32>
    %broadcast_in_dim3A = vector.shape_cast %get3A_9 : vector<512xf32> to vector<512x1xf32>
    %get3A_10 = arith.constant 0 : index
    %get3A_11 = arith.constant 0 : index
    %get3A_12 = vector.load %arg2[%get3A_10, %get3A_11] : memref<512x384xi32, #tpu.memory_space<vmem>>, vector<512x384xi32>
    %bitcast_convert_type3A_13 = tpu.bitcast %get3A_12 : vector<512x384xi32> -> vector<512x384xi32>
    %and3A_14 = arith.constant -65536 : i32
    %and3A_15 = vector.broadcast %and3A_14 : i32 to vector<512x384xi32>
    %and3A_16 = arith.andi %bitcast_convert_type3A_13, %and3A_15 : vector<512x384xi32>
    %bitcast_convert_type3A_17 = tpu.bitcast %and3A_16 : vector<512x384xi32> -> vector<512x384xf32>
    %shift_left3A_18 = arith.constant 16 : i32
    %shift_left3A_19 = vector.broadcast %shift_left3A_18 : i32 to vector<512x384xi32>
    %shift_left3A_20 = arith.shli %bitcast_convert_type3A_13, %shift_left3A_19 : vector<512x384xi32>
    %bitcast_convert_type3A_21 = tpu.bitcast %shift_left3A_20 : vector<512x384xi32> -> vector<512x384xf32>
    %concatenate3A_22 = tpu.concatenate %bitcast_convert_type3A_17, %bitcast_convert_type3A_21 in 1 : vector<512x384xf32>, vector<512x384xf32> -> vector<512x768xf32>
    %mul3A = vector.broadcast %broadcast_in_dim3A : vector<512x1xf32> to vector<512x768xf32>
    %mul3A_23 = arith.mulf %mul3A, %concatenate3A_22 : vector<512x768xf32>
    %add3A = arith.addf %concatenate3A, %mul3A_23 : vector<512x768xf32>
    %get3A_24 = arith.constant 0 : index
    %get3A_25 = vector.load %arg5[%get3A_24] : memref<512xf32, #tpu.memory_space<vmem>>, vector<512xf32>
    %broadcast_in_dim3A_26 = vector.shape_cast %get3A_25 : vector<512xf32> to vector<512x1xf32>
    %get3A_27 = arith.constant 0 : index
    %get3A_28 = arith.constant 0 : index
    %get3A_29 = vector.load %arg3[%get3A_27, %get3A_28] : memref<512x384xi32, #tpu.memory_space<vmem>>, vector<512x384xi32>
    %bitcast_convert_type3A_30 = tpu.bitcast %get3A_29 : vector<512x384xi32> -> vector<512x384xi32>
    %and3A_31 = arith.constant -65536 : i32
    %and3A_32 = vector.broadcast %and3A_31 : i32 to vector<512x384xi32>
    %and3A_33 = arith.andi %bitcast_convert_type3A_30, %and3A_32 : vector<512x384xi32>
    %bitcast_convert_type3A_34 = tpu.bitcast %and3A_33 : vector<512x384xi32> -> vector<512x384xf32>
    %shift_left3A_35 = arith.constant 16 : i32
    %shift_left3A_36 = vector.broadcast %shift_left3A_35 : i32 to vector<512x384xi32>
    %shift_left3A_37 = arith.shli %bitcast_convert_type3A_30, %shift_left3A_36 : vector<512x384xi32>
    %bitcast_convert_type3A_38 = tpu.bitcast %shift_left3A_37 : vector<512x384xi32> -> vector<512x384xf32>
    %concatenate3A_39 = tpu.concatenate %bitcast_convert_type3A_34, %bitcast_convert_type3A_38 in 1 : vector<512x384xf32>, vector<512x384xf32> -> vector<512x768xf32>
    %mul3A_40 = vector.broadcast %broadcast_in_dim3A_26 : vector<512x1xf32> to vector<512x768xf32>
    %mul3A_41 = arith.mulf %mul3A_40, %concatenate3A_39 : vector<512x768xf32>
    %add3A_42 = arith.addf %add3A, %mul3A_41 : vector<512x768xf32>
    %swap3A = arith.constant 0 : index
    %swap3A_43 = arith.constant 0 : index
    %swap3A_44 = vector.load %arg6[%swap3A, %swap3A_43] : memref<512x768xf32, #tpu.memory_space<vmem>>, vector<512x768xf32>
    tpu.vector_store %arg6[%swap3A, %swap3A_43], %add3A_42 {strides = array<i32>} : memref<512x768xf32, #tpu.memory_space<vmem>>, vector<512x768xf32>,
    return
  }
  func.func @transform_0(%arg0: i32) -> (i32, i32) {
    %c0_i32 = arith.constant 0 : i32
    %c0_i32_0 = arith.constant 0 : i32
    return %arg0, %c0_i32 : i32, i32
  }
  func.func @transform_1(%arg0: i32) -> (i32, i32) {
    %c0_i32 = arith.constant 0 : i32
    %c0_i32_0 = arith.constant 0 : i32
    return %arg0, %c0_i32 : i32, i32
  }
  func.func @transform_2(%arg0: i32) -> (i32, i32) {
    %c0_i32 = arith.constant 0 : i32
    %c0_i32_0 = arith.constant 0 : i32
    return %arg0, %c0_i32 : i32, i32
  }
  func.func @transform_3(%arg0: i32) -> i32 {
    %c0_i32 = arith.constant 0 : i32
    return %arg0 : i32
  }
  func.func @transform_4(%arg0: i32) -> i32 {
    %c0_i32 = arith.constant 0 : i32
    return %arg0 : i32
  }
  func.func @transform_5(%arg0: i32) -> (i32, i32) {
    %c0_i32 = arith.constant 0 : i32
    %c0_i32_0 = arith.constant 0 : i32
    return %arg0, %c0_i32 : i32, i32
  }
}

</mosaic_0001>

<sc_bundles>
// kernel: kernel.12.cloned.1.call-start
scs
__scs_entry_jumppad:
0x0: {  	(pc) =	sbr.rel $0x88, $3  }
0x1: {  	(tag) =	ssettag $0x0;
	lr =	simm.s32 $0x1  }
0x2: {  	[smem:$0x3F98] =	sst lr;
	_ =	strace $0xD0000000  }
0x3: {  	_ = 	snop  }
0x4: {  	_ = 	snop  }
0x5: {  	_ = 	snop  }
0x6: {  	_ = 	snop  }
0x7: {  	_ = 	snop  }
__scs_overlays_trampoline_lowered:
0x8: {  	[smem:$0x3FA7] =	sst s0  }
0x9: {  	[smem:$0x3FA8] =	sst s1  }
0xa: {  	[smem:$0x3FA9] =	sst s2  }
0xb: {  	[smem:$0x3FAA] =	sst s3  }
0xc: {  	[smem:$0x3FAB] =	sst s4  }
0xd: {  	[smem:$0x3FAC] =	sst s5  }
0xe: {  	[smem:$0x3FAD] =	sst s6  }
0xf: {  	[smem:$0x3FAE] =	sst s7  }
0x10: {  	[smem:$0x3FAF] =	sst s8  }
0x11: {  	[smem:$0x3FB0] =	sst s9;
	s0 =	simm.s32 @!p0 $0x0  }
0x12: {  	s1 =	sld [smem:$0x3F96];
	s0 =	simm.s32 @p0 $0x1  }
0x13: {  	[smem:$0x3FB1] =	sst s0;
	s0 =	simm.s32 @!p1 $0x0  }
0x14: {  	s2 =	sld [smem:$0x3F95];
	s0 =	simm.s32 @p1 $0x1  }
0x15: {  	[smem:$0x3FB2] =	sst s0;
	s0 =	simm.s32 @!p2 $0x0  }
0x16: {  	s3 =	sld [smem:$0x3FDB];
	s0 =	simm.s32 @p2 $0x1  }
0x17: {  	s4 =	simm.s32 $0x1BF5;
	[smem:$0x3FB4] =	sst s0  }
0x18: {  	s0 =	sld [smem:$0x3F97];
	_ =	swait.ge [sflag:s4], $0x0  }
0x19: {  	s7 =	sld [smem:$0x3F98]  }
0x1a: {  	s8 =	sadd.s32 $0xFFFFE003, lr  }
0x1b: {  	s9 =	sadd.s32 $0xFFFFFEF7, lr;
	s5 =	simm.s32 $0xFFFFFFFF;
	p2 =	slt.u32 s8, $0xFFFFF086  }
0x1c: {  	p1 =	slt.u32 s9, $0xF7A;
	s5 =	simm.s32 @!p2 $0x0  }
0x1d: {  	s5 =	simm.s32 @p1 $0x1;
	p0 =	seq.s32 s7, s2  }
0x1e: {  	s7 =	smul.u32 @!p0 $0xF7A, s2;
	p2 =	seq.s32 @!p0 s5, $0x0  }
0x1f: {  	s9 =	smul.u32 $0xF7A, s1;
	s8 =	simm.s32 @!p0 $0x1BF5;
	p2 =	por !p2, p0  }
0x20: {  	[sflag:s8] =	ssyncset.s32 @!p0 $0xFFFFF086;
	s6 =	sadd.s32 @!p0 s3, s7;
	s7 =	simm.s32 @!p0 $0x108  }
0x21: {  	s3 =	sadd.s32 s3, s9;
	s6 =	sadd.s32 @!p0 $0x88, s6;
	s7 =	simm.s32 @p2 $0x1082  }
0x22: {  	[simem:s7], [sflag:s8] =	dma.local @!p0 [hbm:s6], $0xF7A  }
0x23: {  	s9 =	sor.u32 $0xD0000000, s2;
	s6 =	simm.s32 $0x108;
	_ =	swait.ge @!p0 [sflag:s8], $0x0  }
0x24: {  	s3 =	sadd.s32 $0x88, s3;
	s6 =	simm.s32 @!p1 $0x1082;
	[sflag:s4] =	ssyncset.s32 $0xFFFFF086  }
0x25: {  	[simem:s6], [sflag:s4] =	dma.local [hbm:s3], $0xF7A  }
0x26: {  	[smem:$0x3F98] =	sst s1;
	(tag) =	ssettag s2;
	_ =	strace s9  }
0x27: {  	s1 =	sld [smem:$0x3FA8]  }
0x28: {  	s2 =	sld [smem:$0x3FA9]  }
0x29: {  	s4 =	sld [smem:$0x3FAB]  }
0x2a: {  	p0 =	seq.s32 s5, $0x0;
	s5 =	sld [smem:$0x3FAC]  }
0x2b: {  	s6 =	sld [smem:$0x3FAD]  }
0x2c: {  	s7 =	sld [smem:$0x3FAE]  }
0x2d: {  	s3 =	simm.s32 $0x108;
	s8 =	sld [smem:$0x3FAF]  }
0x2e: {  	s3 =	simm.s32 @!p0 $0x1082;
	s9 =	sld [smem:$0x3FB0]  }
0x2f: {  	lr =	sadd.s32 s0, s3;
	s0 =	sld [smem:$0x3FA7]  }
0x30: {  	s3 =	sld [smem:$0x3FAA]  }
0x31: {  	[smem:$0x3FB3] =	sst s10  }
0x32: {  	s10 =	sld [smem:$0x3FB1];
	_ =	sdelay $0x3  }
0x33: {  	p0 =	seq.s32 s10, $0x1;
	s10 =	sld [smem:$0x3FB3];
	_ =	sdelay $0x3  }
0x34: {  	[smem:$0x3FB3] =	sst s10  }
0x35: {  	s10 =	sld [smem:$0x3FB2];
	_ =	sdelay $0x3  }
0x36: {  	p1 =	seq.s32 s10, $0x1;
	s10 =	sld [smem:$0x3FB3];
	_ =	sdelay $0x3  }
0x37: {  	[smem:$0x3FB3] =	sst s10  }
0x38: {  	s10 =	sld [smem:$0x3FB4]  }
0x39: {  	_ = 	snop;
	(pc) =	sbr.ind lr, $3  }
0x3a: {  	_ = 	snop  }
0x3b: {  	_ = 	snop  }
0x3c: {  	p2 =	seq.s32 s10, $0x1;
	s10 =	sld [smem:$0x3FB3]  }
0x3d: {  	_ =	shalt  }
0x3e: {  	_ =	shalt  }
0x3f: {  	_ =	shalt  }
0x40: {  	_ =	shalt  }
0x41: {  	_ =	shalt  }
0x42: {  	_ =	shalt  }
0x43: {  	_ =	shalt  }
0x44: {  	_ =	shalt  }
0x45: {  	_ =	shalt  }
0x46: {  	_ =	shalt  }
0x47: {  	_ =	shalt  }
0x48: {  	_ =	shalt  }
0x49: {  	_ =	shalt  }
0x4a: {  	_ =	shalt  }
0x4b: {  	_ =	shalt  }
0x4c: {  	_ =	shalt  }
0x4d: {  	_ =	shalt  }
0x4e: {  	_ =	shalt  }
0x4f: {  	_ =	shalt  }
0x50: {  	_ =	shalt  }
0x51: {  	_ =	shalt  }
0x52: {  	_ =	shalt  }
0x53: {  	_ =	shalt  }
0x54: {  	_ =	shalt  }
0x55: {  	_ =	shalt  }
0x56: {  	_ =	shalt  }
0x57: {  	_ =	shalt  }
0x58: {  	_ =	shalt  }
0x59: {  	_ =	shalt  }
0x5a: {  	_ =	shalt  }
0x5b: {  	_ =	shalt  }
0x5c: {  	_ =	shalt  }
0x5d: {  	_ =	shalt  }
0x5e: {  	_ =	shalt  }
0x5f: {  	_ =	shalt  }
0x60: {  	_ =	shalt  }
0x61: {  	_ =	shalt  }
0x62: {  	_ =	shalt  }
0x63: {  	_ =	shalt  }
0x64: {  	_ =	shalt  }
0x65: {  	_ =	shalt  }
0x66: {  	_ =	shalt  }
0x67: {  	_ =	shalt  }
0x68: {  	_ =	shalt  }
0x69: {  	_ =	shalt  }
0x6a: {  	_ =	shalt  }
0x6b: {  	_ =	shalt  }
0x6c: {  	_ =	shalt  }
0x6d: {  	_ =	shalt  }
0x6e: {  	_ =	shalt  }
0x6f: {  	_ =	shalt  }
0x70: {  	_ =	shalt  }
0x71: {  	_ =	shalt  }
0x72: {  	_ =	shalt  }
0x73: {  	_ =	shalt  }
0x74: {  	_ =	shalt  }
0x75: {  	_ =	shalt  }
0x76: {  	_ =	shalt  }
0x77: {  	_ =	shalt  }
0x78: {  	_ =	shalt  }
0x79: {  	_ =	shalt  }
0x7a: {  	_ =	shalt  }
0x7b: {  	_ =	shalt  }
0x7c: {  	_ =	shalt  }
0x7d: {  	_ =	shalt  }
0x7e: {  	_ =	shalt  }
0x7f: {  	_ =	shalt  }
0x80: {  	_ =	shalt  }
0x81: {  	_ =	shalt  }
0x82: {  	_ =	shalt  }
0x83: {  	_ =	shalt  }
0x84: {  	_ =	shalt  }
0x85: {  	_ =	shalt  }
0x86: {  	_ =	shalt  }
0x87: {  	_ =	shalt  }
.Lfunc_end0:
.L_simem_size_0:
called_computation.1_lowered:
.L_overlay_start_0:
0x88: {  	s2 =	sld [smem:$0x3FD9]  }
0x89: {  	s3 =	sld [smem:$0x3FFE];
	_ =	sdelay $0x1  }
0x8a: {  	s1 =	srdreg.scid  }
0x8b: {  	s0 =	sand.u32 $0x1, s1  }
0x8c: {  	s17 =	sshll.u32 s0, $0xA;
	s2 =	sadd.s32 s3, s2  }
0x8d: {  	s2 =	sadd.s32 s2, s17  }
0x8e: {  	[smem:$0x3FBF] =	sst s2  }
0x8f: {  	_ = 	snop  }
0x90: {  	s2 =	sld [smem:$0x3FD0];
	(tm) =	ssettm $0x1  }
0x91: {  	s18 =	sld [smem:$0x3FFB];
	_ =	sdelay $0x3  }
0x92: {  	_ =	strace s18  }
0x93: {  	s3 =	sld [smem:$0x3FFC];
	_ =	sdelay $0x3  }
0x94: {  	_ =	strace s3  }
0x95: {  	s3 =	sld [smem:$0x3FFD];
	_ =	sdelay $0x3  }
0x96: {  	_ =	strace s3  }
0x97: {  	_ =	strace $0x8FFFFFFF  }
0x98: {  	s19 =	sld [smem:$0x3FDB];
	_ =	sdelay $0x1  }
0x99: {  	s4 =	simm.s32 $_scs_section_size  }
0x9a: {  	s5 =	simm.s32 $_size__tile_overlayer_lowered;
	s6 =	simm.s32 $_tile_overlayer_lowered  }
0x9b: {  	s22 =	simm.s32 $0x1BFF;
	s21 =	sshll.u32 s6, $0x1;
	s3 =	sadd.s32 s4, s19  }
0x9c: {  	s7 =	simm.s32 $0x0;
	s20 =	sshll.u32 s5, $0x1;
	s5 =	sadd.s32 s21, s3  }
0x9d: {  	[timem:s7], [sflag:s22] =	dma.local [hbm:s5], s20  }
0x9e: {  	_ =	swait.ge [sflag:s22], s20  }
0x9f: {  	s4 =	ssub.s32 $0x0, s20;
	[sflag:s22] =	ssyncset.done $0x0  }
0xa0: {  	[sflag:s22] =	ssyncadd.s32 s4;
	_ =	sdelay $0x1  }
0xa1: {  	s23 =	simm.s32 $0x1B8B  }
0xa2: {  	_ =	swait.ge [sflag:s23], $0x1  }
0xa3: {  	[sflag:s23] =	ssyncset.done $0x0  }
0xa4: {  	s25 =	simm.s32 $0x1B8E;
	s24 =	sld [smem:$0x3FFE];
	[sflag:s23] =	ssyncadd.s32 $0xFFFFFFFF  }
0xa5: {  	s26 =	simm.s32 $execute0_lowered;
	[smem:$0x3FD2] =	sst s25  }
0xa6: {  	s5 =	sshll.u32 s26, $0x1;
	_ =	strace $0x80000049;
	[dreg:$0x1] =	wrdreg $0xFFFFFFFF  }
0xa7: {  	s28 =	simm.s32 $_size_execute0_lowered;
	s3 =	sadd.s32 s3, s5;
	[dreg:$0x0] =	wrdreg $0x0  }
0xa8: {  	s5 =	sshll.u32 s28, $0x1;
	[dreg:$0x2] =	wrdreg s3  }
0xa9: {  	[dreg:$0x3] =	wrdreg s5  }
0xaa: {  	[dreg:$0x4] =	wrdreg $0xC0  }
0xab: {  	_ =	task [dreg:s7], $0x5FFFF  }
0xac: {  	[dreg:$0x1] =	wrdreg $0xFFFFFFFF  }
0xad: {  	[dreg:$0x0] =	wrdreg $0x60  }
0xae: {  	[dreg:$0x2] =	wrdreg s24  }
0xaf: {  	[dreg:$0x3] =	wrdreg s2  }
0xb0: {  	[dreg:$0x4] =	wrdreg $0x9  }
0xb1: {  	_ =	task.clear_ibuf [dreg:s7], $0x5FFFF;
	_ =	strace $0x90000049  }
0xb2: {  	s29 =	simm.s32 $0x9;
	_ =	strace $0x8000004B  }
0xb3: {  	_ =	swait.ge [sflag:s29], $0x1  }
0xb4: {  	[sflag:s29] =	ssyncadd.s32 $0xFFFFFFFF  }
0xb5: {  	_ =	strace $0x9000004B  }
0xb6: {  	_ =	sfence  }
0xb7: {  	s30 =	sld [smem:$0x0];
	_ =	sdelay $0x2  }
0xb8: {  	s31 =	sshll.u32 s1, $0xD;
	s1 =	sshrl.u32 s1, $0x2  }
0xb9: {  	s3 =	sand.u32 $0x4000, s31;
	s1 =	sadd.s32 s1, s30  }
0xba: {  	s0 =	sor.u32 s3, s0;
	s1 =	sshll.u32 s1, $0x11  }
0xbb: {  	s0 =	sor.u32 s1, s0  }
0xbc: {  	s0 =	sadd.s32 $0x8F2B, s0  }
0xbd: {  	[sflag:s0] =	ssyncadd.remote.s32 $0x1  }
0xbe: {  	_ =	sfence.sel $0xFFFF  }
0xbf: {  	[dreg:$0x0] =	wrdreg $0xFFFFFFFF;
	(pc) =	sbr.abs _section_cstart, $3  }
0xc0: {  	[dreg:$0x1] =	wrdreg $0xFFFFFFFF  }
0xc1: {  	_ =	task.clear_ibuf [dreg:s7], $0x2FFFF;
	_ =	strace $0x9FFFFFFF  }
0xc2: {  	(tm) =	ssettm $0x7FFFFFFF  }
0xc3: {  	_ =	shalt  }
tec
execute0_lowered:
.L_overlay_start_1:
0x0: {  	(tag) =	ssettag $0x1  }
0x1: {  	s0 =	srdreg.scid  }
0x2: {  	s1 =	rddreg [dreg:$0x0];
	s2 =	stileid.u32  }
0x3: {  	s4 =	rddreg [dreg:$0x1];
	s14 =	simm.s32 $0x1;
	s16 =	simm.s32 $0x880  }
0x4: {  	s17 =	simm.s32 $0xC80;
	s18 =	simm.s32 $0x1480;
	s19 =	simm.s32 $0x1880  }
0x5: {  	s20 =	simm.s32 $0x2080;
	s21 =	simm.s32 $0x2480;
	s22 =	simm.s32 $0x2C80  }
0x6: {  	s23 =	simm.s32 $0x3080;
	s24 =	simm.s32 $0x3880;
	s25 =	simm.s32 $0x3C80  }
0x7: {  	s28 =	simm.s32 $0x4880;
	s29 =	simm.s32 $0x5080;
	s30 =	simm.s32 $0x5480  }
0x8: {  	s31 =	simm.s32 $0x5C80;
	s10 =	simm.s32 $0x7880;
	s11 =	simm.s32 $0x8080  }
0x9: {  	s12 =	simm.s32 $0x8480;
	s13 =	simm.s32 $0x8C80;
	s0 =	sand.u32 $0x1, s0  }
0xa: {  	s3 =	sshll.u32 s2, $0x5;
	s2 =	simm.s32 $0x0;
	s5 =	sshll.u32 s0, $0x4  }
0xb: {  	[smem:$0x7FF] =	sst s2;
	s0 =	ssub.s32 $0x2, s0;
	s5 =	sor.u32 s5, s3  }
0xc: {  	_ =	strace $0x8000004A;
	s3 =	sadd.s32 $0xC3800, s1;
	s9 =	sshrl.u32 s0, $0x1  }
0xd: {  	s6 =	smul.u32 $0x180, s5;
	s5 =	sadd.s32 s5, s1;
	s0 =	ssub.s32 s0, s9  }
0xe: {  	s9 =	simm.s32 $0x7480;
	s8 =	sadd.s32 $0x3200, s5;
	s5 =	sadd.s32 $0x3400, s5  }
0xf: {  	s7 =	sadd.s32 s6, s1;
	[dreg:$0x3] =	wrdreg s8;
	s4 =	sadd.s32 s4, s6  }
0x10: {  	v2 =	vlaneseq.u32;
	[dreg:$0x5] =	wrdreg s5;
	s5 =	smax.u32 s0, $0x1;
	s6 =	simm.s32 $0x2  }
0x11: {  	vm0 =	vmmov $0xffff;
	vm1 =	vmmov $0xff;
	v1 =	vshrl.u32 v2, $0x3;
	s8 =	simm.s32 $0x6C80;
	[dreg:$0x4] =	wrdreg s4;
	s26 =	sadd.s32 $0x3600, s7  }
0x12: {  	v0 =	vand.u32 $0x7, v2;
	v2 =	vor.u32 $0x8, v2;
	v1 =	vmul.u32 $0x8, v1;
	s4 =	sadd.s32 $0xC3900, s1;
	[dreg:$0x6] =	wrdreg s26;
	s26 =	simm.s32 $0x4480  }
.LBB2_1:
0x13: {  	s15 =	rddreg [dreg:$0x3]  }
0x14: {  	[tilespmem:s2], [sflag:$0x2] =	stream.linear.gather [hbm4b:s15+s2], $0x80, $0x38;
	[tilespmem:$0xC080] =	vst v63  }
0x15: {  	_ =	swait.ge [sflag:s6], $0x80  }
0x16: {  	[sflag:s6] =	ssyncset.done $0x0  }
0x17: {  	[sflag:s6] =	ssyncadd.s32 $0xFFFFFF80  }
0x18: {  	v3 =	vld [tilespmem:$0x0];
	_ =	sdelay $0x4  }
0x19: {  	v4 =	vshrl.u32 v3, $0x3  }
0x1a: {  	v4 =	vmul.u32 $0x18, v4  }
0x1b: {  	v3 =	vand.u32 $0x7, v3  }
0x1c: {  	v3 =	vor.u32 v3, v4  }
0x1d: {  	v4 =	vperm.xlane v3, v0;
	_ =	sdelay $0x1  }
0x1e: {  	v4 =	vadd.s32 v1, v4;
	_ =	sdelay $0x1  }
0x1f: {  	v3 =	vperm.xlane v3, v2;
	_ =	sdelay $0x1  }
0x20: {  	s0 =	simm.s32 $0x80;
	v3 =	vadd.s32 v1, v3  }
0x21: {  	[tilespmem:s0], [sflag:$0x1] =	stream.indirect_vreg.gather [hbm4b:s3+s2], $0x80, v4, vm0, $0xb8;
	[tilespmem:$0xC080] =	vst v63  }
0x22: {  	_ = 	snop  }
0x23: {  	[tilespmem:s16], [sflag:$0x1] =	stream.indirect_vreg.gather [hbm4b:s4+s2], $0x80, v4, vm1, $0xb8;
	[tilespmem:$0xC080] =	vst v63  }
0x24: {  	_ = 	snop  }
0x25: {  	[tilespmem:s17], [sflag:$0x1] =	stream.indirect_vreg.gather [hbm4b:s3+s2], $0x80, v3, vm0, $0xb8;
	[tilespmem:$0xC080] =	vst v63  }
0x26: {  	_ = 	snop  }
0x27: {  	[tilespmem:s18], [sflag:$0x1] =	stream.indirect_vreg.gather [hbm4b:s4+s2], $0x80, v3, vm1, $0xb8;
	[tilespmem:$0xC080] =	vst v63  }
0x28: {  	v3 =	vld [tilespmem:$0x10];
	_ =	sdelay $0x4  }
0x29: {  	v49 =	vshrl.u32 v3, $0x3  }
0x2a: {  	v4 =	vmul.u32 $0x18, v49  }
0x2b: {  	v3 =	vand.u32 $0x7, v3  }
0x2c: {  	v3 =	vor.u32 v3, v4  }
0x2d: {  	v4 =	vperm.xlane v3, v0;
	_ =	sdelay $0x1  }
0x2e: {  	v4 =	vadd.s32 v1, v4;
	_ =	sdelay $0x1  }
0x2f: {  	v3 =	vperm.xlane v3, v2;
	_ =	sdelay $0x1  }
0x30: {  	v3 =	vadd.s32 v1, v3  }
0x31: {  	[tilespmem:s19], [sflag:$0x1] =	stream.indirect_vreg.gather [hbm4b:s3+s2], $0x80, v4, vm0, $0xb8;
	[tilespmem:$0xC080] =	vst v63  }
0x32: {  	_ = 	snop  }
0x33: {  	[tilespmem:s20], [sflag:$0x1] =	stream.indirect_vreg.gather [hbm4b:s4+s2], $0x80, v4, vm1, $0xb8;
	[tilespmem:$0xC080] =	vst v63  }
0x34: {  	_ = 	snop  }
0x35: {  	[tilespmem:s21], [sflag:$0x1] =	stream.indirect_vreg.gather [hbm4b:s3+s2], $0x80, v3, vm0, $0xb8;
	[tilespmem:$0xC080] =	vst v63  }
0x36: {  	_ = 	snop  }
0x37: {  	[tilespmem:s22], [sflag:$0x1] =	stream.indirect_vreg.gather [hbm4b:s4+s2], $0x80, v3, vm1, $0xb8;
	[tilespmem:$0xC080] =	vst v63  }
0x38: {  	v3 =	vld [tilespmem:$0x20];
	_ =	sdelay $0x4  }
0x39: {  	v50 =	vshrl.u32 v3, $0x3  }
0x3a: {  	v4 =	vmul.u32 $0x18, v50  }
0x3b: {  	v3 =	vand.u32 $0x7, v3  }
0x3c: {  	v3 =	vor.u32 v3, v4  }
0x3d: {  	v4 =	vperm.xlane v3, v0;
	_ =	sdelay $0x1  }
0x3e: {  	v4 =	vadd.s32 v1, v4;
	_ =	sdelay $0x1  }
0x3f: {  	v3 =	vperm.xlane v3, v2;
	_ =	sdelay $0x1  }
0x40: {  	v3 =	vadd.s32 v1, v3  }
0x41: {  	[tilespmem:s23], [sflag:$0x1] =	stream.indirect_vreg.gather [hbm4b:s3+s2], $0x80, v4, vm0, $0xb8;
	[tilespmem:$0xC080] =	vst v63  }
0x42: {  	_ = 	snop  }
0x43: {  	[tilespmem:s24], [sflag:$0x1] =	stream.indirect_vreg.gather [hbm4b:s4+s2], $0x80, v4, vm1, $0xb8;
	[tilespmem:$0xC080] =	vst v63  }
0x44: {  	_ = 	snop  }
0x45: {  	[tilespmem:s25], [sflag:$0x1] =	stream.indirect_vreg.gather [hbm4b:s3+s2], $0x80, v3, vm0, $0xb8;
	[tilespmem:$0xC080] =	vst v63  }
0x46: {  	_ = 	snop  }
0x47: {  	[tilespmem:s26], [sflag:$0x1] =	stream.indirect_vreg.gather [hbm4b:s4+s2], $0x80, v3, vm1, $0xb8;
	[tilespmem:$0xC080] =	vst v63  }
0x48: {  	v3 =	vld [tilespmem:$0x30];
	_ =	sdelay $0x4  }
0x49: {  	v51 =	vshrl.u32 v3, $0x3  }
0x4a: {  	v4 =	vmul.u32 $0x18, v51  }
0x4b: {  	v3 =	vand.u32 $0x7, v3  }
0x4c: {  	v3 =	vor.u32 v3, v4  }
0x4d: {  	v4 =	vperm.xlane v3, v0;
	_ =	sdelay $0x1  }
0x4e: {  	v4 =	vadd.s32 v1, v4;
	_ =	sdelay $0x1  }
0x4f: {  	v3 =	vperm.xlane v3, v2;
	_ =	sdelay $0x1  }
0x50: {  	v3 =	vadd.s32 v1, v3  }
0x51: {  	[tilespmem:s28], [sflag:$0x1] =	stream.indirect_vreg.gather [hbm4b:s3+s2], $0x80, v4, vm0, $0xb8;
	[tilespmem:$0xC080] =	vst v63  }
0x52: {  	_ = 	snop  }
0x53: {  	[tilespmem:s29], [sflag:$0x1] =	stream.indirect_vreg.gather [hbm4b:s4+s2], $0x80, v4, vm1, $0xb8;
	[tilespmem:$0xC080] =	vst v63  }
0x54: {  	_ = 	snop  }
0x55: {  	[tilespmem:s30], [sflag:$0x1] =	stream.indirect_vreg.gather [hbm4b:s3+s2], $0x80, v3, vm0, $0xb8;
	[tilespmem:$0xC080] =	vst v63  }
0x56: {  	_ = 	snop  }
0x57: {  	[tilespmem:s31], [sflag:$0x1] =	stream.indirect_vreg.gather [hbm4b:s4+s2], $0x80, v3, vm1, $0xb8;
	[tilespmem:$0xC080] =	vst v63  }
0x58: {  	v3 =	vld [tilespmem:$0x40];
	_ =	sdelay $0x4  }
0x59: {  	v52 =	vshrl.u32 v3, $0x3  }
0x5a: {  	v4 =	vmul.u32 $0x18, v52  }
0x5b: {  	v3 =	vand.u32 $0x7, v3  }
0x5c: {  	v3 =	vor.u32 v3, v4  }
0x5d: {  	v4 =	vperm.xlane v3, v0;
	_ =	sdelay $0x1  }
0x5e: {  	v4 =	vadd.s32 v1, v4;
	_ =	sdelay $0x1  }
0x5f: {  	v3 =	vperm.xlane v3, v2;
	_ =	sdelay $0x1  }
0x60: {  	s1 =	simm.s32 $0x6080;
	v3 =	vadd.s32 v1, v3  }
0x61: {  	[tilespmem:s1], [sflag:$0x1] =	stream.indirect_vreg.gather [hbm4b:s3+s2], $0x80, v4, vm0, $0xb8;
	[tilespmem:$0xC080] =	vst v63  }
0x62: {  	s7 =	simm.s32 $0x6880  }
0x63: {  	[tilespmem:s7], [sflag:$0x1] =	stream.indirect_vreg.gather [hbm4b:s4+s2], $0x80, v4, vm1, $0xb8;
	[tilespmem:$0xC080] =	vst v63  }
0x64: {  	_ = 	snop  }
0x65: {  	[tilespmem:s8], [sflag:$0x1] =	stream.indirect_vreg.gather [hbm4b:s3+s2], $0x80, v3, vm0, $0xb8;
	[tilespmem:$0xC080] =	vst v63  }
0x66: {  	_ = 	snop  }
0x67: {  	[tilespmem:s9], [sflag:$0x1] =	stream.indirect_vreg.gather [hbm4b:s4+s2], $0x80, v3, vm1, $0xb8;
	[tilespmem:$0xC080] =	vst v63  }
0x68: {  	v3 =	vld [tilespmem:$0x50];
	_ =	sdelay $0x4  }
0x69: {  	v53 =	vshrl.u32 v3, $0x3  }
0x6a: {  	v4 =	vmul.u32 $0x18, v53  }
0x6b: {  	v3 =	vand.u32 $0x7, v3  }
0x6c: {  	v3 =	vor.u32 v3, v4  }
0x6d: {  	v4 =	vperm.xlane v3, v0;
	_ =	sdelay $0x1  }
0x6e: {  	v4 =	vadd.s32 v1, v4;
	_ =	sdelay $0x1  }
0x6f: {  	v3 =	vperm.xlane v3, v2;
	_ =	sdelay $0x1  }
0x70: {  	v3 =	vadd.s32 v1, v3  }
0x71: {  	[tilespmem:s10], [sflag:$0x1] =	stream.indirect_vreg.gather [hbm4b:s3+s2], $0x80, v4, vm0, $0xb8;
	[tilespmem:$0xC080] =	vst v63  }
0x72: {  	_ = 	snop  }
0x73: {  	[tilespmem:s11], [sflag:$0x1] =	stream.indirect_vreg.gather [hbm4b:s4+s2], $0x80, v4, vm1, $0xb8;
	[tilespmem:$0xC080] =	vst v63  }
0x74: {  	_ = 	snop  }
0x75: {  	[tilespmem:s12], [sflag:$0x1] =	stream.indirect_vreg.gather [hbm4b:s3+s2], $0x80, v3, vm0, $0xb8;
	[tilespmem:$0xC080] =	vst v63  }
0x76: {  	_ = 	snop  }
0x77: {  	[tilespmem:s13], [sflag:$0x1] =	stream.indirect_vreg.gather [hbm4b:s4+s2], $0x80, v3, vm1, $0xb8;
	[tilespmem:$0xC080] =	vst v63  }
0x78: {  	v3 =	vld [tilespmem:$0x60];
	_ =	sdelay $0x4  }
0x79: {  	v54 =	vshrl.u32 v3, $0x3  }
0x7a: {  	v4 =	vmul.u32 $0x18, v54  }
0x7b: {  	v3 =	vand.u32 $0x7, v3  }
0x7c: {  	v3 =	vor.u32 v3, v4  }
0x7d: {  	v4 =	vperm.xlane v3, v0;
	_ =	sdelay $0x1  }
0x7e: {  	v4 =	vadd.s32 v1, v4;
	_ =	sdelay $0x1  }
0x7f: {  	v3 =	vperm.xlane v3, v2;
	_ =	sdelay $0x1  }
0x80: {  	s7 =	simm.s32 $0x9080;
	v3 =	vadd.s32 v1, v3  }
0x81: {  	[tilespmem:s7], [sflag:$0x1] =	stream.indirect_vreg.gather [hbm4b:s3+s2], $0x80, v4, vm0, $0xb8;
	[tilespmem:$0xC080] =	vst v63  }
0x82: {  	s15 =	simm.s32 $0x9880  }
0x83: {  	[tilespmem:s15], [sflag:$0x1] =	stream.indirect_vreg.gather [hbm4b:s4+s2], $0x80, v4, vm1, $0xb8;
	[tilespmem:$0xC080] =	vst v63  }
0x84: {  	s15 =	simm.s32 $0x9C80  }
0x85: {  	[tilespmem:s15], [sflag:$0x1] =	stream.indirect_vreg.gather [hbm4b:s3+s2], $0x80, v3, vm0, $0xb8;
	[tilespmem:$0xC080] =	vst v63  }
0x86: {  	s15 =	simm.s32 $0xA480  }
0x87: {  	[tilespmem:s15], [sflag:$0x1] =	stream.indirect_vreg.gather [hbm4b:s4+s2], $0x80, v3, vm1, $0xb8;
	[tilespmem:$0xC080] =	vst v63  }
0x88: {  	v3 =	vld [tilespmem:$0x70];
	_ =	sdelay $0x4  }
0x89: {  	v55 =	vshrl.u32 v3, $0x3  }
0x8a: {  	v4 =	vmul.u32 $0x18, v55  }
0x8b: {  	v3 =	vand.u32 $0x7, v3  }
0x8c: {  	v3 =	vor.u32 v3, v4  }
0x8d: {  	v4 =	vperm.xlane v3, v0;
	_ =	sdelay $0x1  }
0x8e: {  	v4 =	vadd.s32 v1, v4;
	_ =	sdelay $0x1  }
0x8f: {  	v3 =	vperm.xlane v3, v2;
	_ =	sdelay $0x1  }
0x90: {  	s15 =	simm.s32 $0xA880;
	v3 =	vadd.s32 v1, v3  }
0x91: {  	[tilespmem:s15], [sflag:$0x1] =	stream.indirect_vreg.gather [hbm4b:s3+s2], $0x80, v4, vm0, $0xb8;
	[tilespmem:$0xC080] =	vst v63  }
0x92: {  	s15 =	simm.s32 $0xB080  }
0x93: {  	[tilespmem:s15], [sflag:$0x1] =	stream.indirect_vreg.gather [hbm4b:s4+s2], $0x80, v4, vm1, $0xb8;
	[tilespmem:$0xC080] =	vst v63  }
0x94: {  	s15 =	simm.s32 $0xB480  }
0x95: {  	[tilespmem:s15], [sflag:$0x1] =	stream.indirect_vreg.gather [hbm4b:s3+s2], $0x80, v3, vm0, $0xb8;
	[tilespmem:$0xC080] =	vst v63  }
0x96: {  	s15 =	simm.s32 $0xBC80  }
0x97: {  	[tilespmem:s15], [sflag:$0x1] =	stream.indirect_vreg.gather [hbm4b:s4+s2], $0x80, v3, vm1, $0xb8;
	[tilespmem:$0xC080] =	vst v63  }
0x98: {  	_ =	swait.ge [sflag:s14], $0xC000  }
0x99: {  	[sflag:s14] =	ssyncset.done $0x0  }
0x9a: {  	s0 =	simm.s32 $0x80;
	s15 =	rddreg [dreg:$0x4];
	[sflag:s14] =	ssyncadd.s32 $0xFFFF4000  }
0x9b: {  	[hbm4b:s15+s2] =	stream.linear.scatter [tilespmem:s0], [sflag:$0x2], $0xC000, $0x38;
	[tilespmem:$0xC080] =	vst v63  }
0x9c: {  	_ =	swait.ge [sflag:s6], $0xC000  }
0x9d: {  	[sflag:s6] =	ssyncset.done $0x0  }
0x9e: {  	s15 =	rddreg [dreg:$0x5];
	[sflag:s6] =	ssyncadd.s32 $0xFFFF4000  }
0x9f: {  	[tilespmem:s2], [sflag:$0x2] =	stream.linear.gather [hbm4b:s15+s2], $0x80, $0x38;
	[tilespmem:$0xC080] =	vst v63  }
0xa0: {  	_ =	swait.ge [sflag:s6], $0x80  }
0xa1: {  	[sflag:s6] =	ssyncset.done $0x0  }
0xa2: {  	[sflag:s6] =	ssyncadd.s32 $0xFFFFFF80  }
0xa3: {  	v3 =	vld [tilespmem:$0x0];
	_ =	sdelay $0x4  }
0xa4: {  	v56 =	vshrl.u32 v3, $0x3  }
0xa5: {  	v4 =	vmul.u32 $0x18, v56  }
0xa6: {  	v3 =	vand.u32 $0x7, v3  }
0xa7: {  	v3 =	vor.u32 v3, v4  }
0xa8: {  	v4 =	vperm.xlane v3, v0;
	_ =	sdelay $0x1  }
0xa9: {  	v4 =	vadd.s32 v1, v4;
	_ =	sdelay $0x1  }
0xaa: {  	v3 =	vperm.xlane v3, v2;
	_ =	sdelay $0x1  }
0xab: {  	v3 =	vadd.s32 v1, v3  }
0xac: {  	[tilespmem:s0], [sflag:$0x1] =	stream.indirect_vreg.gather [hbm4b:s3+s2], $0x80, v4, vm0, $0xb8;
	[tilespmem:$0xC080] =	vst v63  }
0xad: {  	_ = 	snop  }
0xae: {  	[tilespmem:s16], [sflag:$0x1] =	stream.indirect_vreg.gather [hbm4b:s4+s2], $0x80, v4, vm1, $0xb8;
	[tilespmem:$0xC080] =	vst v63  }
0xaf: {  	_ = 	snop  }
0xb0: {  	[tilespmem:s17], [sflag:$0x1] =	stream.indirect_vreg.gather [hbm4b:s3+s2], $0x80, v3, vm0, $0xb8;
	[tilespmem:$0xC080] =	vst v63  }
0xb1: {  	_ = 	snop  }
0xb2: {  	[tilespmem:s18], [sflag:$0x1] =	stream.indirect_vreg.gather [hbm4b:s4+s2], $0x80, v3, vm1, $0xb8;
	[tilespmem:$0xC080] =	vst v63  }
0xb3: {  	v3 =	vld [tilespmem:$0x10];
	_ =	sdelay $0x4  }
0xb4: {  	v57 =	vshrl.u32 v3, $0x3  }
0xb5: {  	v4 =	vmul.u32 $0x18, v57  }
0xb6: {  	v3 =	vand.u32 $0x7, v3  }
0xb7: {  	v3 =	vor.u32 v3, v4  }
0xb8: {  	v4 =	vperm.xlane v3, v0;
	_ =	sdelay $0x1  }
0xb9: {  	v4 =	vadd.s32 v1, v4;
	_ =	sdelay $0x1  }
0xba: {  	v3 =	vperm.xlane v3, v2;
	_ =	sdelay $0x1  }
0xbb: {  	v3 =	vadd.s32 v1, v3  }
0xbc: {  	[tilespmem:s19], [sflag:$0x1] =	stream.indirect_vreg.gather [hbm4b:s3+s2], $0x80, v4, vm0, $0xb8;
	[tilespmem:$0xC080] =	vst v63  }
0xbd: {  	_ = 	snop  }
0xbe: {  	[tilespmem:s20], [sflag:$0x1] =	stream.indirect_vreg.gather [hbm4b:s4+s2], $0x80, v4, vm1, $0xb8;
	[tilespmem:$0xC080] =	vst v63  }
0xbf: {  	_ = 	snop  }
0xc0: {  	[tilespmem:s21], [sflag:$0x1] =	stream.indirect_vreg.gather [hbm4b:s3+s2], $0x80, v3, vm0, $0xb8;
	[tilespmem:$0xC080] =	vst v63  }
0xc1: {  	_ = 	snop  }
0xc2: {  	[tilespmem:s22], [sflag:$0x1] =	stream.indirect_vreg.gather [hbm4b:s4+s2], $0x80, v3, vm1, $0xb8;
	[tilespmem:$0xC080] =	vst v63  }
0xc3: {  	v3 =	vld [tilespmem:$0x20];
	_ =	sdelay $0x4  }
0xc4: {  	v58 =	vshrl.u32 v3, $0x3  }
0xc5: {  	v4 =	vmul.u32 $0x18, v58  }
0xc6: {  	v3 =	vand.u32 $0x7, v3  }
0xc7: {  	v3 =	vor.u32 v3, v4  }
0xc8: {  	v4 =	vperm.xlane v3, v0;
	_ =	sdelay $0x1  }
0xc9: {  	v4 =	vadd.s32 v1, v4;
	_ =	sdelay $0x1  }
0xca: {  	v3 =	vperm.xlane v3, v2;
	_ =	sdelay $0x1  }
0xcb: {  	v3 =	vadd.s32 v1, v3  }
0xcc: {  	[tilespmem:s23], [sflag:$0x1] =	stream.indirect_vreg.gather [hbm4b:s3+s2], $0x80, v4, vm0, $0xb8;
	[tilespmem:$0xC080] =	vst v63  }
0xcd: {  	_ = 	snop  }
0xce: {  	[tilespmem:s24], [sflag:$0x1] =	stream.indirect_vreg.gather [hbm4b:s4+s2], $0x80, v4, vm1, $0xb8;
	[tilespmem:$0xC080] =	vst v63  }
0xcf: {  	_ = 	snop  }
0xd0: {  	[tilespmem:s25], [sflag:$0x1] =	stream.indirect_vreg.gather [hbm4b:s3+s2], $0x80, v3, vm0, $0xb8;
	[tilespmem:$0xC080] =	vst v63  }
0xd1: {  	_ = 	snop  }
0xd2: {  	[tilespmem:s26], [sflag:$0x1] =	stream.indirect_vreg.gather [hbm4b:s4+s2], $0x80, v3, vm1, $0xb8;
	[tilespmem:$0xC080] =	vst v63  }
0xd3: {  	v3 =	vld [tilespmem:$0x30];
	_ =	sdelay $0x4  }
0xd4: {  	v59 =	vshrl.u32 v3, $0x3  }
0xd5: {  	v4 =	vmul.u32 $0x18, v59  }
0xd6: {  	v3 =	vand.u32 $0x7, v3  }
0xd7: {  	v3 =	vor.u32 v3, v4  }
0xd8: {  	v4 =	vperm.xlane v3, v0;
	_ =	sdelay $0x1  }
0xd9: {  	v4 =	vadd.s32 v1, v4;
	_ =	sdelay $0x1  }
0xda: {  	v3 =	vperm.xlane v3, v2;
	_ =	sdelay $0x1  }
0xdb: {  	v3 =	vadd.s32 v1, v3  }
0xdc: {  	[tilespmem:s28], [sflag:$0x1] =	stream.indirect_vreg.gather [hbm4b:s3+s2], $0x80, v4, vm0, $0xb8;
	[tilespmem:$0xC080] =	vst v63  }
0xdd: {  	_ = 	snop  }
0xde: {  	[tilespmem:s29], [sflag:$0x1] =	stream.indirect_vreg.gather [hbm4b:s4+s2], $0x80, v4, vm1, $0xb8;
	[tilespmem:$0xC080] =	vst v63  }
0xdf: {  	_ = 	snop  }
0xe0: {  	[tilespmem:s30], [sflag:$0x1] =	stream.indirect_vreg.gather [hbm4b:s3+s2], $0x80, v3, vm0, $0xb8;
	[tilespmem:$0xC080] =	vst v63  }
0xe1: {  	_ = 	snop  }
0xe2: {  	[tilespmem:s31], [sflag:$0x1] =	stream.indirect_vreg.gather [hbm4b:s4+s2], $0x80, v3, vm1, $0xb8;
	[tilespmem:$0xC080] =	vst v63  }
0xe3: {  	v3 =	vld [tilespmem:$0x40];
	_ =	sdelay $0x4  }
0xe4: {  	v60 =	vshrl.u32 v3, $0x3  }
0xe5: {  	v4 =	vmul.u32 $0x18, v60  }
0xe6: {  	v3 =	vand.u32 $0x7, v3  }
0xe7: {  	v3 =	vor.u32 v3, v4  }
0xe8: {  	v4 =	vperm.xlane v3, v0;
	_ =	sdelay $0x1  }
0xe9: {  	v4 =	vadd.s32 v1, v4;
	_ =	sdelay $0x1  }
0xea: {  	v3 =	vperm.xlane v3, v2;
	_ =	sdelay $0x1  }
0xeb: {  	v3 =	vadd.s32 v1, v3  }
0xec: {  	[tilespmem:s1], [sflag:$0x1] =	stream.indirect_vreg.gather [hbm4b:s3+s2], $0x80, v4, vm0, $0xb8;
	[tilespmem:$0xC080] =	vst v63  }
0xed: {  	s15 =	simm.s32 $0x6880  }
0xee: {  	[tilespmem:s15], [sflag:$0x1] =	stream.indirect_vreg.gather [hbm4b:s4+s2], $0x80, v4, vm1, $0xb8;
	[tilespmem:$0xC080] =	vst v63  }
0xef: {  	_ = 	snop  }
0xf0: {  	[tilespmem:s8], [sflag:$0x1] =	stream.indirect_vreg.gather [hbm4b:s3+s2], $0x80, v3, vm0, $0xb8;
	[tilespmem:$0xC080] =	vst v63  }
0xf1: {  	_ = 	snop  }
0xf2: {  	[tilespmem:s9], [sflag:$0x1] =	stream.indirect_vreg.gather [hbm4b:s4+s2], $0x80, v3, vm1, $0xb8;
	[tilespmem:$0xC080] =	vst v63  }
0xf3: {  	v3 =	vld [tilespmem:$0x50];
	_ =	sdelay $0x4  }
0xf4: {  	v61 =	vshrl.u32 v3, $0x3  }
0xf5: {  	v4 =	vmul.u32 $0x18, v61  }
0xf6: {  	v3 =	vand.u32 $0x7, v3  }
0xf7: {  	v3 =	vor.u32 v3, v4  }
0xf8: {  	v4 =	vperm.xlane v3, v0;
	_ =	sdelay $0x1  }
0xf9: {  	v4 =	vadd.s32 v1, v4;
	_ =	sdelay $0x1  }
0xfa: {  	v3 =	vperm.xlane v3, v2;
	_ =	sdelay $0x1  }
0xfb: {  	v3 =	vadd.s32 v1, v3  }
0xfc: {  	[tilespmem:s10], [sflag:$0x1] =	stream.indirect_vreg.gather [hbm4b:s3+s2], $0x80, v4, vm0, $0xb8;
	[tilespmem:$0xC080] =	vst v63  }
0xfd: {  	_ = 	snop  }
0xfe: {  	[tilespmem:s11], [sflag:$0x1] =	stream.indirect_vreg.gather [hbm4b:s4+s2], $0x80, v4, vm1, $0xb8;
	[tilespmem:$0xC080] =	vst v63  }
0xff: {  	_ = 	snop  }
0x100: {  	[tilespmem:s12], [sflag:$0x1] =	stream.indirect_vreg.gather [hbm4b:s3+s2], $0x80, v3, vm0, $0xb8;
	[tilespmem:$0xC080] =	vst v63  }
0x101: {  	_ = 	snop  }
0x102: {  	[tilespmem:s13], [sflag:$0x1] =	stream.indirect_vreg.gather [hbm4b:s4+s2], $0x80, v3, vm1, $0xb8;
	[tilespmem:$0xC080] =	vst v63  }
0x103: {  	v3 =	vld [tilespmem:$0x60];
	_ =	sdelay $0x4  }
0x104: {  	v62 =	vshrl.u32 v3, $0x3  }
0x105: {  	v4 =	vmul.u32 $0x18, v62  }
0x106: {  	v3 =	vand.u32 $0x7, v3  }
0x107: {  	v3 =	vor.u32 v3, v4  }
0x108: {  	v4 =	vperm.xlane v3, v0;
	_ =	sdelay $0x1  }
0x109: {  	v4 =	vadd.s32 v1, v4;
	_ =	sdelay $0x1  }
0x10a: {  	v3 =	vperm.xlane v3, v2;
	_ =	sdelay $0x1  }
0x10b: {  	v3 =	vadd.s32 v1, v3  }
0x10c: {  	[tilespmem:s7], [sflag:$0x1] =	stream.indirect_vreg.gather [hbm4b:s3+s2], $0x80, v4, vm0, $0xb8;
	[tilespmem:$0xC080] =	vst v63  }
0x10d: {  	s15 =	simm.s32 $0x9880  }
0x10e: {  	[tilespmem:s15], [sflag:$0x1] =	stream.indirect_vreg.gather [hbm4b:s4+s2], $0x80, v4, vm1, $0xb8;
	[tilespmem:$0xC080] =	vst v63  }
0x10f: {  	s7 =	simm.s32 $0x9C80  }
0x110: {  	[tilespmem:s7], [sflag:$0x1] =	stream.indirect_vreg.gather [hbm4b:s3+s2], $0x80, v3, vm0, $0xb8;
	[tilespmem:$0xC080] =	vst v63  }
0x111: {  	s15 =	simm.s32 $0xA480  }
0x112: {  	[tilespmem:s15], [sflag:$0x1] =	stream.indirect_vreg.gather [hbm4b:s4+s2], $0x80, v3, vm1, $0xb8;
	[tilespmem:$0xC080] =	vst v63  }
0x113: {  	v3 =	vld [tilespmem:$0x70];
	_ =	sdelay $0x4  }
0x114: {  	v63 =	vshrl.u32 v3, $0x3  }
0x115: {  	v4 =	vmul.u32 $0x18, v63  }
0x116: {  	v3 =	vand.u32 $0x7, v3  }
0x117: {  	v3 =	vor.u32 v3, v4  }
0x118: {  	v4 =	vperm.xlane v3, v0;
	_ =	sdelay $0x1  }
0x119: {  	v4 =	vadd.s32 v1, v4;
	_ =	sdelay $0x1  }
0x11a: {  	v3 =	vperm.xlane v3, v2;
	_ =	sdelay $0x1  }
0x11b: {  	s7 =	simm.s32 $0xA880;
	v3 =	vadd.s32 v1, v3  }
0x11c: {  	[tilespmem:s7], [sflag:$0x1] =	stream.indirect_vreg.gather [hbm4b:s3+s2], $0x80, v4, vm0, $0xb8;
	[tilespmem:$0xC080] =	vst v63  }
0x11d: {  	s15 =	simm.s32 $0xB080  }
0x11e: {  	[tilespmem:s15], [sflag:$0x1] =	stream.indirect_vreg.gather [hbm4b:s4+s2], $0x80, v4, vm1, $0xb8;
	[tilespmem:$0xC080] =	vst v63  }
0x11f: {  	s7 =	simm.s32 $0xB480  }
0x120: {  	[tilespmem:s7], [sflag:$0x1] =	stream.indirect_vreg.gather [hbm4b:s3+s2], $0x80, v3, vm0, $0xb8;
	[tilespmem:$0xC080] =	vst v63  }
0x121: {  	s15 =	simm.s32 $0xBC80  }
0x122: {  	[tilespmem:s15], [sflag:$0x1] =	stream.indirect_vreg.gather [hbm4b:s4+s2], $0x80, v3, vm1, $0xb8;
	[tilespmem:$0xC080] =	vst v63  }
0x123: {  	_ =	swait.ge [sflag:s14], $0xC000  }
0x124: {  	p0 =	sne.s32 s5, $0x1;
	s0 =	simm.s32 $0x80;
	[sflag:s14] =	ssyncset.done $0x0  }
.Ltmp0:
0x125: {  	s7 =	rddreg [dreg:$0x6];
	[sflag:s14] =	ssyncadd.s32 $0xFFFF4000;
	(pc) =	sbr.rel @p0 .LBB2_1-.Ltmp0, $4  }
0x126: {  	[hbm4b:s7+s2] =	stream.linear.scatter [tilespmem:s0], [sflag:$0x2], $0xC000, $0x38;
	[tilespmem:$0xC080] =	vst v63  }
0x127: {  	_ =	swait.ge [sflag:s6], $0xC000  }
0x128: {  	[sflag:s6] =	ssyncset.done $0x0  }
0x129: {  	s5 =	sadd.s32 $0xFFFFFFFF, s5;
	[sflag:s6] =	ssyncadd.s32 $0xFFFF4000  }
0x12a: {  	_ =	sfence.sel $0x180000  }
0x12b: {  	[bflag:$0x0] =	sbarrier.arrive $0xFFFF  }
0x12c: {  	_ =	strace $0x9000004A  }
0x12d: {  	s0 =	stileid.u32;
	[bflag:$0x2] =	sbarrier.arrive $0xFFFF  }
0x12e: {  	p0 =	sne.s32 s0, $0x0;
	s0 =	rddreg [dreg:$0x2]  }
0x12f: {  	s0 =	sadd.s32 @!p0 $0x100000, s0  }
0x130: {  	[sflag:s0] =	ssyncadd.tile.s32 @!p0 $0x1;
	_ =	shalt  }
.Lfunc_end2:
_tile_overlayer_lowered:
.L_overlay_start_2:
0x131: {  	(tag) =	ssettag $0x2  }
0x132: {  	s0 =	rddreg [dreg:$0x0];
	s2 =	stileid.u32  }
0x133: {  	s1 =	rddreg [dreg:$0x1];
	p0 =	sne.s32 s2, $0x0  }
0x134: {  	s3 =	rddreg [dreg:$0x2];
	[bflag:$0x3] =	sbarrier.arrive $0xFFFF;
	s2 =	simm.s32 @!p0 $0x1C02  }
0x135: {  	[timem:s3], [sflag:s2] =	dma.local @!p0 [hbm:s0], s1  }
0x136: {  	s0 =	simm.s32 @!p0 $0x2  }
0x137: {  	_ =	swait.ge @!p0 [sflag:s0], s1  }
0x138: {  	s1 =	ssub.s32 @!p0 $0x0, s1;
	[sflag:s0] =	ssyncset.done @!p0 $0x0  }
0x139: {  	[sflag:s0] =	ssyncadd.s32 @!p0 s1  }
0x13a: {  	[bflag:$0x3] =	sbarrier.arrive $0xFFFF  }
0x13b: {  	_ =	shalt  }

// kernel: kernel.9.cloned.1.call-start
scs
__scs_entry_jumppad:
0x0: {  	(pc) =	sbr.rel $0x88, $3  }
0x1: {  	(tag) =	ssettag $0x0;
	lr =	simm.s32 $0x1  }
0x2: {  	[smem:$0x3F98] =	sst lr;
	_ =	strace $0xD0000000  }
0x3: {  	_ = 	snop  }
0x4: {  	_ = 	snop  }
0x5: {  	_ = 	snop  }
0x6: {  	_ = 	snop  }
0x7: {  	_ = 	snop  }
__scs_overlays_trampoline_lowered:
0x8: {  	[smem:$0x3FA7] =	sst s0  }
0x9: {  	[smem:$0x3FA8] =	sst s1  }
0xa: {  	[smem:$0x3FA9] =	sst s2  }
0xb: {  	[smem:$0x3FAA] =	sst s3  }
0xc: {  	[smem:$0x3FAB] =	sst s4  }
0xd: {  	[smem:$0x3FAC] =	sst s5  }
0xe: {  	[smem:$0x3FAD] =	sst s6  }
0xf: {  	[smem:$0x3FAE] =	sst s7  }
0x10: {  	[smem:$0x3FAF] =	sst s8  }
0x11: {  	[smem:$0x3FB0] =	sst s9;
	s0 =	simm.s32 @!p0 $0x0  }
0x12: {  	s1 =	sld [smem:$0x3F96];
	s0 =	simm.s32 @p0 $0x1  }
0x13: {  	[smem:$0x3FB1] =	sst s0;
	s0 =	simm.s32 @!p1 $0x0  }
0x14: {  	s2 =	sld [smem:$0x3F95];
	s0 =	simm.s32 @p1 $0x1  }
0x15: {  	[smem:$0x3FB2] =	sst s0;
	s0 =	simm.s32 @!p2 $0x0  }
0x16: {  	s3 =	sld [smem:$0x3FDB];
	s0 =	simm.s32 @p2 $0x1  }
0x17: {  	s4 =	simm.s32 $0x1BF5;
	[smem:$0x3FB4] =	sst s0  }
0x18: {  	s0 =	sld [smem:$0x3F97];
	_ =	swait.ge [sflag:s4], $0x0  }
0x19: {  	s7 =	sld [smem:$0x3F98]  }
0x1a: {  	s8 =	sadd.s32 $0xFFFFE003, lr  }
0x1b: {  	s9 =	sadd.s32 $0xFFFFFEF7, lr;
	s5 =	simm.s32 $0xFFFFFFFF;
	p2 =	slt.u32 s8, $0xFFFFF086  }
0x1c: {  	p1 =	slt.u32 s9, $0xF7A;
	s5 =	simm.s32 @!p2 $0x0  }
0x1d: {  	s5 =	simm.s32 @p1 $0x1;
	p0 =	seq.s32 s7, s2  }
0x1e: {  	s7 =	smul.u32 @!p0 $0xF7A, s2;
	p2 =	seq.s32 @!p0 s5, $0x0  }
0x1f: {  	s9 =	smul.u32 $0xF7A, s1;
	s8 =	simm.s32 @!p0 $0x1BF5;
	p2 =	por !p2, p0  }
0x20: {  	[sflag:s8] =	ssyncset.s32 @!p0 $0xFFFFF086;
	s6 =	sadd.s32 @!p0 s3, s7;
	s7 =	simm.s32 @!p0 $0x108  }
0x21: {  	s3 =	sadd.s32 s3, s9;
	s6 =	sadd.s32 @!p0 $0x88, s6;
	s7 =	simm.s32 @p2 $0x1082  }
0x22: {  	[simem:s7], [sflag:s8] =	dma.local @!p0 [hbm:s6], $0xF7A  }
0x23: {  	s9 =	sor.u32 $0xD0000000, s2;
	s6 =	simm.s32 $0x108;
	_ =	swait.ge @!p0 [sflag:s8], $0x0  }
0x24: {  	s3 =	sadd.s32 $0x88, s3;
	s6 =	simm.s32 @!p1 $0x1082;
	[sflag:s4] =	ssyncset.s32 $0xFFFFF086  }
0x25: {  	[simem:s6], [sflag:s4] =	dma.local [hbm:s3], $0xF7A  }
0x26: {  	[smem:$0x3F98] =	sst s1;
	(tag) =	ssettag s2;
	_ =	strace s9  }
0x27: {  	s1 =	sld [smem:$0x3FA8]  }
0x28: {  	s2 =	sld [smem:$0x3FA9]  }
0x29: {  	s4 =	sld [smem:$0x3FAB]  }
0x2a: {  	p0 =	seq.s32 s5, $0x0;
	s5 =	sld [smem:$0x3FAC]  }
0x2b: {  	s6 =	sld [smem:$0x3FAD]  }
0x2c: {  	s7 =	sld [smem:$0x3FAE]  }
0x2d: {  	s3 =	simm.s32 $0x108;
	s8 =	sld [smem:$0x3FAF]  }
0x2e: {  	s3 =	simm.s32 @!p0 $0x1082;
	s9 =	sld [smem:$0x3FB0]  }
0x2f: {  	lr =	sadd.s32 s0, s3;
	s0 =	sld [smem:$0x3FA7]  }
0x30: {  	s3 =	sld [smem:$0x3FAA]  }
0x31: {  	[smem:$0x3FB3] =	sst s10  }
0x32: {  	s10 =	sld [smem:$0x3FB1];
	_ =	sdelay $0x3  }
0x33: {  	p0 =	seq.s32 s10, $0x1;
	s10 =	sld [smem:$0x3FB3];
	_ =	sdelay $0x3  }
0x34: {  	[smem:$0x3FB3] =	sst s10  }
0x35: {  	s10 =	sld [smem:$0x3FB2];
	_ =	sdelay $0x3  }
0x36: {  	p1 =	seq.s32 s10, $0x1;
	s10 =	sld [smem:$0x3FB3];
	_ =	sdelay $0x3  }
0x37: {  	[smem:$0x3FB3] =	sst s10  }
0x38: {  	s10 =	sld [smem:$0x3FB4]  }
0x39: {  	_ = 	snop;
	(pc) =	sbr.ind lr, $3  }
0x3a: {  	_ = 	snop  }
0x3b: {  	_ = 	snop  }
0x3c: {  	p2 =	seq.s32 s10, $0x1;
	s10 =	sld [smem:$0x3FB3]  }
0x3d: {  	_ =	shalt  }
0x3e: {  	_ =	shalt  }
0x3f: {  	_ =	shalt  }
0x40: {  	_ =	shalt  }
0x41: {  	_ =	shalt  }
0x42: {  	_ =	shalt  }
0x43: {  	_ =	shalt  }
0x44: {  	_ =	shalt  }
0x45: {  	_ =	shalt  }
0x46: {  	_ =	shalt  }
0x47: {  	_ =	shalt  }
0x48: {  	_ =	shalt  }
0x49: {  	_ =	shalt  }
0x4a: {  	_ =	shalt  }
0x4b: {  	_ =	shalt  }
0x4c: {  	_ =	shalt  }
0x4d: {  	_ =	shalt  }
0x4e: {  	_ =	shalt  }
0x4f: {  	_ =	shalt  }
0x50: {  	_ =	shalt  }
0x51: {  	_ =	shalt  }
0x52: {  	_ =	shalt  }
0x53: {  	_ =	shalt  }
0x54: {  	_ =	shalt  }
0x55: {  	_ =	shalt  }
0x56: {  	_ =	shalt  }
0x57: {  	_ =	shalt  }
0x58: {  	_ =	shalt  }
0x59: {  	_ =	shalt  }
0x5a: {  	_ =	shalt  }
0x5b: {  	_ =	shalt  }
0x5c: {  	_ =	shalt  }
0x5d: {  	_ =	shalt  }
0x5e: {  	_ =	shalt  }
0x5f: {  	_ =	shalt  }
0x60: {  	_ =	shalt  }
0x61: {  	_ =	shalt  }
0x62: {  	_ =	shalt  }
0x63: {  	_ =	shalt  }
0x64: {  	_ =	shalt  }
0x65: {  	_ =	shalt  }
0x66: {  	_ =	shalt  }
0x67: {  	_ =	shalt  }
0x68: {  	_ =	shalt  }
0x69: {  	_ =	shalt  }
0x6a: {  	_ =	shalt  }
0x6b: {  	_ =	shalt  }
0x6c: {  	_ =	shalt  }
0x6d: {  	_ =	shalt  }
0x6e: {  	_ =	shalt  }
0x6f: {  	_ =	shalt  }
0x70: {  	_ =	shalt  }
0x71: {  	_ =	shalt  }
0x72: {  	_ =	shalt  }
0x73: {  	_ =	shalt  }
0x74: {  	_ =	shalt  }
0x75: {  	_ =	shalt  }
0x76: {  	_ =	shalt  }
0x77: {  	_ =	shalt  }
0x78: {  	_ =	shalt  }
0x79: {  	_ =	shalt  }
0x7a: {  	_ =	shalt  }
0x7b: {  	_ =	shalt  }
0x7c: {  	_ =	shalt  }
0x7d: {  	_ =	shalt  }
0x7e: {  	_ =	shalt  }
0x7f: {  	_ =	shalt  }
0x80: {  	_ =	shalt  }
0x81: {  	_ =	shalt  }
0x82: {  	_ =	shalt  }
0x83: {  	_ =	shalt  }
0x84: {  	_ =	shalt  }
0x85: {  	_ =	shalt  }
0x86: {  	_ =	shalt  }
0x87: {  	_ =	shalt  }
.Lfunc_end0:
.L_simem_size_0:
called_computation_lowered:
.L_overlay_start_0:
0x88: {  	s2 =	sld [smem:$0x3FD9]  }
0x89: {  	s3 =	sld [smem:$0x3FFE];
	_ =	sdelay $0x1  }
0x8a: {  	s1 =	srdreg.scid  }
0x8b: {  	s0 =	sand.u32 $0x1, s1  }
0x8c: {  	s17 =	sshll.u32 s0, $0xA;
	s2 =	sadd.s32 s3, s2  }
0x8d: {  	s2 =	sadd.s32 s2, s17  }
0x8e: {  	[smem:$0x3FBF] =	sst s2  }
0x8f: {  	_ = 	snop  }
0x90: {  	s2 =	sld [smem:$0x3FD0];
	(tm) =	ssettm $0x1  }
0x91: {  	s18 =	sld [smem:$0x3FFB];
	_ =	sdelay $0x3  }
0x92: {  	_ =	strace s18  }
0x93: {  	s3 =	sld [smem:$0x3FFC];
	_ =	sdelay $0x3  }
0x94: {  	_ =	strace s3  }
0x95: {  	s3 =	sld [smem:$0x3FFD];
	_ =	sdelay $0x3  }
0x96: {  	_ =	strace s3  }
0x97: {  	_ =	strace $0x8FFFFFFF  }
0x98: {  	s19 =	sld [smem:$0x3FDB];
	_ =	sdelay $0x1  }
0x99: {  	s4 =	simm.s32 $_scs_section_size  }
0x9a: {  	s5 =	simm.s32 $_size__tile_overlayer_lowered;
	s6 =	simm.s32 $_tile_overlayer_lowered  }
0x9b: {  	s22 =	simm.s32 $0x1BFF;
	s21 =	sshll.u32 s6, $0x1;
	s3 =	sadd.s32 s4, s19  }
0x9c: {  	s7 =	simm.s32 $0x0;
	s20 =	sshll.u32 s5, $0x1;
	s5 =	sadd.s32 s21, s3  }
0x9d: {  	[timem:s7], [sflag:s22] =	dma.local [hbm:s5], s20  }
0x9e: {  	_ =	swait.ge [sflag:s22], s20  }
0x9f: {  	s4 =	ssub.s32 $0x0, s20;
	[sflag:s22] =	ssyncset.done $0x0  }
0xa0: {  	[sflag:s22] =	ssyncadd.s32 s4;
	_ =	sdelay $0x1  }
0xa1: {  	s23 =	simm.s32 $0x1B8B  }
0xa2: {  	_ =	swait.ge [sflag:s23], $0x1  }
0xa3: {  	[sflag:s23] =	ssyncset.done $0x0  }
0xa4: {  	s25 =	simm.s32 $0x1B8E;
	s24 =	sld [smem:$0x3FFE];
	[sflag:s23] =	ssyncadd.s32 $0xFFFFFFFF  }
0xa5: {  	s26 =	simm.s32 $execute0_lowered;
	[smem:$0x3FD2] =	sst s25  }
0xa6: {  	s5 =	sshll.u32 s26, $0x1;
	_ =	strace $0x80000046;
	[dreg:$0x1] =	wrdreg $0xFFFFFFFF  }
0xa7: {  	s28 =	simm.s32 $_size_execute0_lowered;
	s3 =	sadd.s32 s3, s5;
	[dreg:$0x0] =	wrdreg $0x0  }
0xa8: {  	s5 =	sshll.u32 s28, $0x1;
	[dreg:$0x2] =	wrdreg s3  }
0xa9: {  	[dreg:$0x3] =	wrdreg s5  }
0xaa: {  	[dreg:$0x4] =	wrdreg $0xC0  }
0xab: {  	_ =	task [dreg:s7], $0x5FFFF  }
0xac: {  	[dreg:$0x1] =	wrdreg $0xFFFFFFFF  }
0xad: {  	[dreg:$0x0] =	wrdreg $0x60  }
0xae: {  	[dreg:$0x2] =	wrdreg s2  }
0xaf: {  	[dreg:$0x3] =	wrdreg s24  }
0xb0: {  	[dreg:$0x4] =	wrdreg $0x9  }
0xb1: {  	_ =	task.clear_ibuf [dreg:s7], $0x5FFFF;
	_ =	strace $0x90000046  }
0xb2: {  	s29 =	simm.s32 $0x9;
	_ =	strace $0x80000048  }
0xb3: {  	_ =	swait.ge [sflag:s29], $0x1  }
0xb4: {  	[sflag:s29] =	ssyncadd.s32 $0xFFFFFFFF  }
0xb5: {  	_ =	strace $0x90000048  }
0xb6: {  	_ =	sfence  }
0xb7: {  	s30 =	sld [smem:$0x0];
	_ =	sdelay $0x2  }
0xb8: {  	s31 =	sshll.u32 s1, $0xD;
	s1 =	sshrl.u32 s1, $0x2  }
0xb9: {  	s3 =	sand.u32 $0x4000, s31;
	s1 =	sadd.s32 s1, s30  }
0xba: {  	s0 =	sor.u32 s3, s0;
	s1 =	sshll.u32 s1, $0x11  }
0xbb: {  	s0 =	sor.u32 s1, s0  }
0xbc: {  	s0 =	sadd.s32 $0x8F2B, s0  }
0xbd: {  	[sflag:s0] =	ssyncadd.remote.s32 $0x1  }
0xbe: {  	_ =	sfence.sel $0xFFFF  }
0xbf: {  	[dreg:$0x0] =	wrdreg $0xFFFFFFFF;
	(pc) =	sbr.abs _section_cstart, $3  }
0xc0: {  	[dreg:$0x1] =	wrdreg $0xFFFFFFFF  }
0xc1: {  	_ =	task.clear_ibuf [dreg:s7], $0x2FFFF;
	_ =	strace $0x9FFFFFFF  }
0xc2: {  	(tm) =	ssettm $0x7FFFFFFF  }
0xc3: {  	_ =	shalt  }
tec
execute0_lowered:
.L_overlay_start_1:
0x0: {  	(tag) =	ssettag $0x1  }
0x1: {  	s0 =	srdreg.scid;
	s1 =	rddreg [dreg:$0x0]  }
0x2: {  	s2 =	stileid.u32;
	s4 =	rddreg [dreg:$0x1];
	s26 =	simm.s32 $0x80  }
0x3: {  	s14 =	simm.s32 $0x100;
	s18 =	simm.s32 $0x1500;
	s19 =	simm.s32 $0x1900  }
0x4: {  	s20 =	simm.s32 $0x2100;
	s21 =	simm.s32 $0x2500;
	s22 =	simm.s32 $0x2D00  }
0x5: {  	s23 =	simm.s32 $0x3100;
	s24 =	simm.s32 $0x3900;
	s28 =	simm.s32 $0x4900  }
0x6: {  	s29 =	simm.s32 $0x5100;
	s30 =	simm.s32 $0x5500;
	s31 =	simm.s32 $0x5D00  }
0x7: {  	s8 =	simm.s32 $0x6D00;
	s9 =	simm.s32 $0x7500;
	s10 =	simm.s32 $0x7900  }
0x8: {  	s11 =	simm.s32 $0x8100;
	s12 =	simm.s32 $0x8500;
	s13 =	simm.s32 $0x8D00  }
0x9: {  	s7 =	simm.s32 $0x9100;
	s15 =	simm.s32 $0x9900;
	s0 =	sand.u32 $0x1, s0  }
0xa: {  	s3 =	sshll.u32 s2, $0x5;
	s2 =	simm.s32 $0x0;
	s5 =	sshll.u32 s0, $0x4  }
0xb: {  	[smem:$0x7FF] =	sst s2;
	s0 =	ssub.s32 $0x2, s0;
	s3 =	sor.u32 s5, s3  }
0xc: {  	_ =	strace $0x80000047;
	s25 =	sshrl.u32 s0, $0x1;
	s5 =	sadd.s32 s3, s4  }
0xd: {  	[dreg:$0x6] =	wrdreg s26;
	s26 =	simm.s32 $0x4500;
	s6 =	sadd.s32 $0x3200, s5  }
0xe: {  	s3 =	smul.u32 $0x180, s3;
	s5 =	sadd.s32 $0x3400, s5;
	[dreg:$0x3] =	wrdreg s6  }
0xf: {  	v2 =	vlaneseq.u32;
	s0 =	ssub.s32 s0, s25;
	s25 =	simm.s32 $0x3D00;
	[dreg:$0x4] =	wrdreg s5  }
0x10: {  	vm0 =	vmmov $0xffff;
	vm1 =	vmmov $0xff;
	v1 =	vshrl.u32 v2, $0x3;
	s1 =	sadd.s32 s1, s3;
	s3 =	sadd.s32 $0x3600, s4;
	s4 =	sadd.s32 $0x3700, s4  }
0x11: {  	v0 =	vand.u32 $0x7, v2;
	v2 =	vor.u32 $0x8, v2;
	v1 =	vmul.u32 $0x8, v1;
	s5 =	smax.u32 s0, $0x1;
	s6 =	simm.s32 $0x3;
	[dreg:$0x5] =	wrdreg s1  }
.LBB2_1:
0x12: {  	s16 =	rddreg [dreg:$0x3]  }
0x13: {  	[tilespmem:s2], [sflag:$0x3] =	stream.linear.gather [hbm4b:s16+s2], $0x80, $0x38;
	[tilespmem:$0xC100] =	vst v63  }
0x14: {  	_ =	swait.ge [sflag:s6], $0x80  }
0x15: {  	s0 =	rddreg [dreg:$0x4];
	[sflag:s6] =	ssyncset.done $0x0  }
0x16: {  	s17 =	rddreg [dreg:$0x6];
	[sflag:s6] =	ssyncadd.s32 $0xFFFFFF80  }
0x17: {  	[tilespmem:s17], [sflag:$0x3] =	stream.linear.gather [hbm4b:s0+s2], $0x80, $0x38;
	[tilespmem:$0xC100] =	vst v63  }
0x18: {  	_ =	swait.ge [sflag:s6], $0x80  }
0x19: {  	[sflag:s6] =	ssyncset.done $0x0  }
0x1a: {  	s1 =	rddreg [dreg:$0x5];
	[sflag:s6] =	ssyncadd.s32 $0xFFFFFF80  }
0x1b: {  	[tilespmem:s14], [sflag:$0x3] =	stream.linear.gather [hbm4b:s1+s2], $0xC000, $0x38;
	[tilespmem:$0xC100] =	vst v63  }
0x1c: {  	_ =	swait.ge [sflag:s6], $0xC000  }
0x1d: {  	[sflag:s6] =	ssyncset.done $0x0  }
0x1e: {  	[sflag:s6] =	ssyncadd.s32 $0xFFFF4000  }
0x1f: {  	v3 =	vld [tilespmem:$0x0];
	_ =	sdelay $0x4  }
0x20: {  	v4 =	vshrl.u32 v3, $0x3  }
0x21: {  	v4 =	vmul.u32 $0x18, v4  }
0x22: {  	v3 =	vand.u32 $0x7, v3  }
0x23: {  	v3 =	vor.u32 v3, v4  }
0x24: {  	v4 =	vperm.xlane v3, v0;
	_ =	sdelay $0x1  }
0x25: {  	v4 =	vadd.s32 v1, v4;
	_ =	sdelay $0x1  }
0x26: {  	v3 =	vperm.xlane v3, v2;
	_ =	sdelay $0x1  }
0x27: {  	v3 =	vadd.s32 v1, v3  }
0x28: {  	[hbm4b:s3+s2] =	stream.indirect_vreg.scatter [tilespmem:s14], [sflag:$0x1], $0x80, v4, vm0, $0xb8;
	[tilespmem:$0xC100] =	vst v63  }
0x29: {  	s16 =	simm.s32 $0x900  }
0x2a: {  	[hbm4b:s4+s2] =	stream.indirect_vreg.scatter [tilespmem:s16], [sflag:$0x1], $0x80, v4, vm1, $0xb8;
	[tilespmem:$0xC100] =	vst v63  }
0x2b: {  	s17 =	simm.s32 $0xD00  }
0x2c: {  	[hbm4b:s3+s2] =	stream.indirect_vreg.scatter [tilespmem:s17], [sflag:$0x1], $0x80, v3, vm0, $0xb8;
	[tilespmem:$0xC100] =	vst v63  }
0x2d: {  	_ = 	snop  }
0x2e: {  	[hbm4b:s4+s2] =	stream.indirect_vreg.scatter [tilespmem:s18], [sflag:$0x1], $0x80, v3, vm1, $0xb8;
	[tilespmem:$0xC100] =	vst v63  }
0x2f: {  	v3 =	vld [tilespmem:$0x10];
	_ =	sdelay $0x4  }
0x30: {  	v49 =	vshrl.u32 v3, $0x3  }
0x31: {  	v4 =	vmul.u32 $0x18, v49  }
0x32: {  	v3 =	vand.u32 $0x7, v3  }
0x33: {  	v3 =	vor.u32 v3, v4  }
0x34: {  	v4 =	vperm.xlane v3, v0;
	_ =	sdelay $0x1  }
0x35: {  	v4 =	vadd.s32 v1, v4;
	_ =	sdelay $0x1  }
0x36: {  	v3 =	vperm.xlane v3, v2;
	_ =	sdelay $0x1  }
0x37: {  	v3 =	vadd.s32 v1, v3  }
0x38: {  	[hbm4b:s3+s2] =	stream.indirect_vreg.scatter [tilespmem:s19], [sflag:$0x1], $0x80, v4, vm0, $0xb8;
	[tilespmem:$0xC100] =	vst v63  }
0x39: {  	_ = 	snop  }
0x3a: {  	[hbm4b:s4+s2] =	stream.indirect_vreg.scatter [tilespmem:s20], [sflag:$0x1], $0x80, v4, vm1, $0xb8;
	[tilespmem:$0xC100] =	vst v63  }
0x3b: {  	_ = 	snop  }
0x3c: {  	[hbm4b:s3+s2] =	stream.indirect_vreg.scatter [tilespmem:s21], [sflag:$0x1], $0x80, v3, vm0, $0xb8;
	[tilespmem:$0xC100] =	vst v63  }
0x3d: {  	_ = 	snop  }
0x3e: {  	[hbm4b:s4+s2] =	stream.indirect_vreg.scatter [tilespmem:s22], [sflag:$0x1], $0x80, v3, vm1, $0xb8;
	[tilespmem:$0xC100] =	vst v63  }
0x3f: {  	v3 =	vld [tilespmem:$0x20];
	_ =	sdelay $0x4  }
0x40: {  	v50 =	vshrl.u32 v3, $0x3  }
0x41: {  	v4 =	vmul.u32 $0x18, v50  }
0x42: {  	v3 =	vand.u32 $0x7, v3  }
0x43: {  	v3 =	vor.u32 v3, v4  }
0x44: {  	v4 =	vperm.xlane v3, v0;
	_ =	sdelay $0x1  }
0x45: {  	v4 =	vadd.s32 v1, v4;
	_ =	sdelay $0x1  }
0x46: {  	v3 =	vperm.xlane v3, v2;
	_ =	sdelay $0x1  }
0x47: {  	v3 =	vadd.s32 v1, v3  }
0x48: {  	[hbm4b:s3+s2] =	stream.indirect_vreg.scatter [tilespmem:s23], [sflag:$0x1], $0x80, v4, vm0, $0xb8;
	[tilespmem:$0xC100] =	vst v63  }
0x49: {  	_ = 	snop  }
0x4a: {  	[hbm4b:s4+s2] =	stream.indirect_vreg.scatter [tilespmem:s24], [sflag:$0x1], $0x80, v4, vm1, $0xb8;
	[tilespmem:$0xC100] =	vst v63  }
0x4b: {  	_ = 	snop  }
0x4c: {  	[hbm4b:s3+s2] =	stream.indirect_vreg.scatter [tilespmem:s25], [sflag:$0x1], $0x80, v3, vm0, $0xb8;
	[tilespmem:$0xC100] =	vst v63  }
0x4d: {  	_ = 	snop  }
0x4e: {  	[hbm4b:s4+s2] =	stream.indirect_vreg.scatter [tilespmem:s26], [sflag:$0x1], $0x80, v3, vm1, $0xb8;
	[tilespmem:$0xC100] =	vst v63  }
0x4f: {  	v3 =	vld [tilespmem:$0x30];
	_ =	sdelay $0x4  }
0x50: {  	v51 =	vshrl.u32 v3, $0x3  }
0x51: {  	v4 =	vmul.u32 $0x18, v51  }
0x52: {  	v3 =	vand.u32 $0x7, v3  }
0x53: {  	v3 =	vor.u32 v3, v4  }
0x54: {  	v4 =	vperm.xlane v3, v0;
	_ =	sdelay $0x1  }
0x55: {  	v4 =	vadd.s32 v1, v4;
	_ =	sdelay $0x1  }
0x56: {  	v3 =	vperm.xlane v3, v2;
	_ =	sdelay $0x1  }
0x57: {  	v3 =	vadd.s32 v1, v3  }
0x58: {  	[hbm4b:s3+s2] =	stream.indirect_vreg.scatter [tilespmem:s28], [sflag:$0x1], $0x80, v4, vm0, $0xb8;
	[tilespmem:$0xC100] =	vst v63  }
0x59: {  	_ = 	snop  }
0x5a: {  	[hbm4b:s4+s2] =	stream.indirect_vreg.scatter [tilespmem:s29], [sflag:$0x1], $0x80, v4, vm1, $0xb8;
	[tilespmem:$0xC100] =	vst v63  }
0x5b: {  	_ = 	snop  }
0x5c: {  	[hbm4b:s3+s2] =	stream.indirect_vreg.scatter [tilespmem:s30], [sflag:$0x1], $0x80, v3, vm0, $0xb8;
	[tilespmem:$0xC100] =	vst v63  }
0x5d: {  	_ = 	snop  }
0x5e: {  	[hbm4b:s4+s2] =	stream.indirect_vreg.scatter [tilespmem:s31], [sflag:$0x1], $0x80, v3, vm1, $0xb8;
	[tilespmem:$0xC100] =	vst v63  }
0x5f: {  	v3 =	vld [tilespmem:$0x40];
	_ =	sdelay $0x4  }
0x60: {  	v52 =	vshrl.u32 v3, $0x3  }
0x61: {  	v4 =	vmul.u32 $0x18, v52  }
0x62: {  	v3 =	vand.u32 $0x7, v3  }
0x63: {  	v3 =	vor.u32 v3, v4  }
0x64: {  	v4 =	vperm.xlane v3, v0;
	_ =	sdelay $0x1  }
0x65: {  	v4 =	vadd.s32 v1, v4;
	_ =	sdelay $0x1  }
0x66: {  	v3 =	vperm.xlane v3, v2;
	_ =	sdelay $0x1  }
0x67: {  	s1 =	simm.s32 $0x6100;
	v3 =	vadd.s32 v1, v3  }
0x68: {  	[hbm4b:s3+s2] =	stream.indirect_vreg.scatter [tilespmem:s1], [sflag:$0x1], $0x80, v4, vm0, $0xb8;
	[tilespmem:$0xC100] =	vst v63  }
0x69: {  	s0 =	simm.s32 $0x6900  }
0x6a: {  	[hbm4b:s4+s2] =	stream.indirect_vreg.scatter [tilespmem:s0], [sflag:$0x1], $0x80, v4, vm1, $0xb8;
	[tilespmem:$0xC100] =	vst v63  }
0x6b: {  	_ = 	snop  }
0x6c: {  	[hbm4b:s3+s2] =	stream.indirect_vreg.scatter [tilespmem:s8], [sflag:$0x1], $0x80, v3, vm0, $0xb8;
	[tilespmem:$0xC100] =	vst v63  }
0x6d: {  	_ = 	snop  }
0x6e: {  	[hbm4b:s4+s2] =	stream.indirect_vreg.scatter [tilespmem:s9], [sflag:$0x1], $0x80, v3, vm1, $0xb8;
	[tilespmem:$0xC100] =	vst v63  }
0x6f: {  	v3 =	vld [tilespmem:$0x50];
	_ =	sdelay $0x4  }
0x70: {  	v53 =	vshrl.u32 v3, $0x3  }
0x71: {  	v4 =	vmul.u32 $0x18, v53  }
0x72: {  	v3 =	vand.u32 $0x7, v3  }
0x73: {  	v3 =	vor.u32 v3, v4  }
0x74: {  	v4 =	vperm.xlane v3, v0;
	_ =	sdelay $0x1  }
0x75: {  	v4 =	vadd.s32 v1, v4;
	_ =	sdelay $0x1  }
0x76: {  	v3 =	vperm.xlane v3, v2;
	_ =	sdelay $0x1  }
0x77: {  	v3 =	vadd.s32 v1, v3  }
0x78: {  	[hbm4b:s3+s2] =	stream.indirect_vreg.scatter [tilespmem:s10], [sflag:$0x1], $0x80, v4, vm0, $0xb8;
	[tilespmem:$0xC100] =	vst v63  }
0x79: {  	_ = 	snop  }
0x7a: {  	[hbm4b:s4+s2] =	stream.indirect_vreg.scatter [tilespmem:s11], [sflag:$0x1], $0x80, v4, vm1, $0xb8;
	[tilespmem:$0xC100] =	vst v63  }
0x7b: {  	_ = 	snop  }
0x7c: {  	[hbm4b:s3+s2] =	stream.indirect_vreg.scatter [tilespmem:s12], [sflag:$0x1], $0x80, v3, vm0, $0xb8;
	[tilespmem:$0xC100] =	vst v63  }
0x7d: {  	_ = 	snop  }
0x7e: {  	[hbm4b:s4+s2] =	stream.indirect_vreg.scatter [tilespmem:s13], [sflag:$0x1], $0x80, v3, vm1, $0xb8;
	[tilespmem:$0xC100] =	vst v63  }
0x7f: {  	v3 =	vld [tilespmem:$0x60];
	_ =	sdelay $0x4  }
0x80: {  	v54 =	vshrl.u32 v3, $0x3  }
0x81: {  	v4 =	vmul.u32 $0x18, v54  }
0x82: {  	v3 =	vand.u32 $0x7, v3  }
0x83: {  	v3 =	vor.u32 v3, v4  }
0x84: {  	v4 =	vperm.xlane v3, v0;
	_ =	sdelay $0x1  }
0x85: {  	v4 =	vadd.s32 v1, v4;
	_ =	sdelay $0x1  }
0x86: {  	v3 =	vperm.xlane v3, v2;
	_ =	sdelay $0x1  }
0x87: {  	v3 =	vadd.s32 v1, v3  }
0x88: {  	[hbm4b:s3+s2] =	stream.indirect_vreg.scatter [tilespmem:s7], [sflag:$0x1], $0x80, v4, vm0, $0xb8;
	[tilespmem:$0xC100] =	vst v63  }
0x89: {  	_ = 	snop  }
0x8a: {  	[hbm4b:s4+s2] =	stream.indirect_vreg.scatter [tilespmem:s15], [sflag:$0x1], $0x80, v4, vm1, $0xb8;
	[tilespmem:$0xC100] =	vst v63  }
0x8b: {  	s0 =	simm.s32 $0x9D00  }
0x8c: {  	[hbm4b:s3+s2] =	stream.indirect_vreg.scatter [tilespmem:s0], [sflag:$0x1], $0x80, v3, vm0, $0xb8;
	[tilespmem:$0xC100] =	vst v63  }
0x8d: {  	s0 =	simm.s32 $0xA500  }
0x8e: {  	[hbm4b:s4+s2] =	stream.indirect_vreg.scatter [tilespmem:s0], [sflag:$0x1], $0x80, v3, vm1, $0xb8;
	[tilespmem:$0xC100] =	vst v63  }
0x8f: {  	v3 =	vld [tilespmem:$0x70];
	_ =	sdelay $0x4  }
0x90: {  	v55 =	vshrl.u32 v3, $0x3  }
0x91: {  	v4 =	vmul.u32 $0x18, v55  }
0x92: {  	v3 =	vand.u32 $0x7, v3  }
0x93: {  	v3 =	vor.u32 v3, v4  }
0x94: {  	v4 =	vperm.xlane v3, v0;
	_ =	sdelay $0x1  }
0x95: {  	v4 =	vadd.s32 v1, v4;
	_ =	sdelay $0x1  }
0x96: {  	v3 =	vperm.xlane v3, v2;
	_ =	sdelay $0x1  }
0x97: {  	s0 =	simm.s32 $0xA900;
	v3 =	vadd.s32 v1, v3  }
0x98: {  	[hbm4b:s3+s2] =	stream.indirect_vreg.scatter [tilespmem:s0], [sflag:$0x1], $0x80, v4, vm0, $0xb8;
	[tilespmem:$0xC100] =	vst v63  }
0x99: {  	s0 =	simm.s32 $0xB100  }
0x9a: {  	[hbm4b:s4+s2] =	stream.indirect_vreg.scatter [tilespmem:s0], [sflag:$0x1], $0x80, v4, vm1, $0xb8;
	[tilespmem:$0xC100] =	vst v63  }
0x9b: {  	s0 =	simm.s32 $0xB500  }
0x9c: {  	[hbm4b:s3+s2] =	stream.indirect_vreg.scatter [tilespmem:s0], [sflag:$0x1], $0x80, v3, vm0, $0xb8;
	[tilespmem:$0xC100] =	vst v63  }
0x9d: {  	s0 =	simm.s32 $0xBD00  }
0x9e: {  	[hbm4b:s4+s2] =	stream.indirect_vreg.scatter [tilespmem:s0], [sflag:$0x1], $0x80, v3, vm1, $0xb8;
	[tilespmem:$0xC100] =	vst v63  }
0x9f: {  	v3 =	vld [tilespmem:$0x80];
	_ =	sdelay $0x4  }
0xa0: {  	v56 =	vshrl.u32 v3, $0x3  }
0xa1: {  	v4 =	vmul.u32 $0x18, v56  }
0xa2: {  	v3 =	vand.u32 $0x7, v3  }
0xa3: {  	v3 =	vor.u32 v3, v4  }
0xa4: {  	v4 =	vperm.xlane v3, v0;
	_ =	sdelay $0x1  }
0xa5: {  	v4 =	vadd.s32 v1, v4;
	_ =	sdelay $0x1  }
0xa6: {  	v3 =	vperm.xlane v3, v2;
	_ =	sdelay $0x1  }
0xa7: {  	v3 =	vadd.s32 v1, v3  }
0xa8: {  	[hbm4b:s3+s2] =	stream.indirect_vreg.scatter [tilespmem:s14], [sflag:$0x2], $0x80, v4, vm0, $0xb8;
	[tilespmem:$0xC100] =	vst v63  }
0xa9: {  	_ = 	snop  }
0xaa: {  	[hbm4b:s4+s2] =	stream.indirect_vreg.scatter [tilespmem:s16], [sflag:$0x2], $0x80, v4, vm1, $0xb8;
	[tilespmem:$0xC100] =	vst v63  }
0xab: {  	_ = 	snop  }
0xac: {  	[hbm4b:s3+s2] =	stream.indirect_vreg.scatter [tilespmem:s17], [sflag:$0x2], $0x80, v3, vm0, $0xb8;
	[tilespmem:$0xC100] =	vst v63  }
0xad: {  	_ = 	snop  }
0xae: {  	[hbm4b:s4+s2] =	stream.indirect_vreg.scatter [tilespmem:s18], [sflag:$0x2], $0x80, v3, vm1, $0xb8;
	[tilespmem:$0xC100] =	vst v63  }
0xaf: {  	v3 =	vld [tilespmem:$0x90];
	_ =	sdelay $0x4  }
0xb0: {  	v57 =	vshrl.u32 v3, $0x3  }
0xb1: {  	v4 =	vmul.u32 $0x18, v57  }
0xb2: {  	v3 =	vand.u32 $0x7, v3  }
0xb3: {  	v3 =	vor.u32 v3, v4  }
0xb4: {  	v4 =	vperm.xlane v3, v0;
	_ =	sdelay $0x1  }
0xb5: {  	v4 =	vadd.s32 v1, v4;
	_ =	sdelay $0x1  }
0xb6: {  	v3 =	vperm.xlane v3, v2;
	_ =	sdelay $0x1  }
0xb7: {  	v3 =	vadd.s32 v1, v3  }
0xb8: {  	[hbm4b:s3+s2] =	stream.indirect_vreg.scatter [tilespmem:s19], [sflag:$0x2], $0x80, v4, vm0, $0xb8;
	[tilespmem:$0xC100] =	vst v63  }
0xb9: {  	_ = 	snop  }
0xba: {  	[hbm4b:s4+s2] =	stream.indirect_vreg.scatter [tilespmem:s20], [sflag:$0x2], $0x80, v4, vm1, $0xb8;
	[tilespmem:$0xC100] =	vst v63  }
0xbb: {  	_ = 	snop  }
0xbc: {  	[hbm4b:s3+s2] =	stream.indirect_vreg.scatter [tilespmem:s21], [sflag:$0x2], $0x80, v3, vm0, $0xb8;
	[tilespmem:$0xC100] =	vst v63  }
0xbd: {  	_ = 	snop  }
0xbe: {  	[hbm4b:s4+s2] =	stream.indirect_vreg.scatter [tilespmem:s22], [sflag:$0x2], $0x80, v3, vm1, $0xb8;
	[tilespmem:$0xC100] =	vst v63  }
0xbf: {  	v3 =	vld [tilespmem:$0xA0];
	_ =	sdelay $0x4  }
0xc0: {  	v58 =	vshrl.u32 v3, $0x3  }
0xc1: {  	v4 =	vmul.u32 $0x18, v58  }
0xc2: {  	v3 =	vand.u32 $0x7, v3  }
0xc3: {  	v3 =	vor.u32 v3, v4  }
0xc4: {  	v4 =	vperm.xlane v3, v0;
	_ =	sdelay $0x1  }
0xc5: {  	v4 =	vadd.s32 v1, v4;
	_ =	sdelay $0x1  }
0xc6: {  	v3 =	vperm.xlane v3, v2;
	_ =	sdelay $0x1  }
0xc7: {  	v3 =	vadd.s32 v1, v3  }
0xc8: {  	[hbm4b:s3+s2] =	stream.indirect_vreg.scatter [tilespmem:s23], [sflag:$0x2], $0x80, v4, vm0, $0xb8;
	[tilespmem:$0xC100] =	vst v63  }
0xc9: {  	_ = 	snop  }
0xca: {  	[hbm4b:s4+s2] =	stream.indirect_vreg.scatter [tilespmem:s24], [sflag:$0x2], $0x80, v4, vm1, $0xb8;
	[tilespmem:$0xC100] =	vst v63  }
0xcb: {  	_ = 	snop  }
0xcc: {  	[hbm4b:s3+s2] =	stream.indirect_vreg.scatter [tilespmem:s25], [sflag:$0x2], $0x80, v3, vm0, $0xb8;
	[tilespmem:$0xC100] =	vst v63  }
0xcd: {  	_ = 	snop  }
0xce: {  	[hbm4b:s4+s2] =	stream.indirect_vreg.scatter [tilespmem:s26], [sflag:$0x2], $0x80, v3, vm1, $0xb8;
	[tilespmem:$0xC100] =	vst v63  }
0xcf: {  	v3 =	vld [tilespmem:$0xB0];
	_ =	sdelay $0x4  }
0xd0: {  	v59 =	vshrl.u32 v3, $0x3  }
0xd1: {  	v4 =	vmul.u32 $0x18, v59  }
0xd2: {  	v3 =	vand.u32 $0x7, v3  }
0xd3: {  	v3 =	vor.u32 v3, v4  }
0xd4: {  	v4 =	vperm.xlane v3, v0;
	_ =	sdelay $0x1  }
0xd5: {  	v4 =	vadd.s32 v1, v4;
	_ =	sdelay $0x1  }
0xd6: {  	v3 =	vperm.xlane v3, v2;
	_ =	sdelay $0x1  }
0xd7: {  	v3 =	vadd.s32 v1, v3  }
0xd8: {  	[hbm4b:s3+s2] =	stream.indirect_vreg.scatter [tilespmem:s28], [sflag:$0x2], $0x80, v4, vm0, $0xb8;
	[tilespmem:$0xC100] =	vst v63  }
0xd9: {  	_ = 	snop  }
0xda: {  	[hbm4b:s4+s2] =	stream.indirect_vreg.scatter [tilespmem:s29], [sflag:$0x2], $0x80, v4, vm1, $0xb8;
	[tilespmem:$0xC100] =	vst v63  }
0xdb: {  	_ = 	snop  }
0xdc: {  	[hbm4b:s3+s2] =	stream.indirect_vreg.scatter [tilespmem:s30], [sflag:$0x2], $0x80, v3, vm0, $0xb8;
	[tilespmem:$0xC100] =	vst v63  }
0xdd: {  	_ = 	snop  }
0xde: {  	[hbm4b:s4+s2] =	stream.indirect_vreg.scatter [tilespmem:s31], [sflag:$0x2], $0x80, v3, vm1, $0xb8;
	[tilespmem:$0xC100] =	vst v63  }
0xdf: {  	v3 =	vld [tilespmem:$0xC0];
	_ =	sdelay $0x4  }
0xe0: {  	v60 =	vshrl.u32 v3, $0x3  }
0xe1: {  	v4 =	vmul.u32 $0x18, v60  }
0xe2: {  	v3 =	vand.u32 $0x7, v3  }
0xe3: {  	v3 =	vor.u32 v3, v4  }
0xe4: {  	v4 =	vperm.xlane v3, v0;
	_ =	sdelay $0x1  }
0xe5: {  	v4 =	vadd.s32 v1, v4;
	_ =	sdelay $0x1  }
0xe6: {  	v3 =	vperm.xlane v3, v2;
	_ =	sdelay $0x1  }
0xe7: {  	v3 =	vadd.s32 v1, v3  }
0xe8: {  	[hbm4b:s3+s2] =	stream.indirect_vreg.scatter [tilespmem:s1], [sflag:$0x2], $0x80, v4, vm0, $0xb8;
	[tilespmem:$0xC100] =	vst v63  }
0xe9: {  	s16 =	simm.s32 $0x6900  }
0xea: {  	[hbm4b:s4+s2] =	stream.indirect_vreg.scatter [tilespmem:s16], [sflag:$0x2], $0x80, v4, vm1, $0xb8;
	[tilespmem:$0xC100] =	vst v63  }
0xeb: {  	_ = 	snop  }
0xec: {  	[hbm4b:s3+s2] =	stream.indirect_vreg.scatter [tilespmem:s8], [sflag:$0x2], $0x80, v3, vm0, $0xb8;
	[tilespmem:$0xC100] =	vst v63  }
0xed: {  	_ = 	snop  }
0xee: {  	[hbm4b:s4+s2] =	stream.indirect_vreg.scatter [tilespmem:s9], [sflag:$0x2], $0x80, v3, vm1, $0xb8;
	[tilespmem:$0xC100] =	vst v63  }
0xef: {  	v3 =	vld [tilespmem:$0xD0];
	_ =	sdelay $0x4  }
0xf0: {  	v61 =	vshrl.u32 v3, $0x3  }
0xf1: {  	v4 =	vmul.u32 $0x18, v61  }
0xf2: {  	v3 =	vand.u32 $0x7, v3  }
0xf3: {  	v3 =	vor.u32 v3, v4  }
0xf4: {  	v4 =	vperm.xlane v3, v0;
	_ =	sdelay $0x1  }
0xf5: {  	v4 =	vadd.s32 v1, v4;
	_ =	sdelay $0x1  }
0xf6: {  	v3 =	vperm.xlane v3, v2;
	_ =	sdelay $0x1  }
0xf7: {  	v3 =	vadd.s32 v1, v3  }
0xf8: {  	[hbm4b:s3+s2] =	stream.indirect_vreg.scatter [tilespmem:s10], [sflag:$0x2], $0x80, v4, vm0, $0xb8;
	[tilespmem:$0xC100] =	vst v63  }
0xf9: {  	_ = 	snop  }
0xfa: {  	[hbm4b:s4+s2] =	stream.indirect_vreg.scatter [tilespmem:s11], [sflag:$0x2], $0x80, v4, vm1, $0xb8;
	[tilespmem:$0xC100] =	vst v63  }
0xfb: {  	_ = 	snop  }
0xfc: {  	[hbm4b:s3+s2] =	stream.indirect_vreg.scatter [tilespmem:s12], [sflag:$0x2], $0x80, v3, vm0, $0xb8;
	[tilespmem:$0xC100] =	vst v63  }
0xfd: {  	_ = 	snop  }
0xfe: {  	[hbm4b:s4+s2] =	stream.indirect_vreg.scatter [tilespmem:s13], [sflag:$0x2], $0x80, v3, vm1, $0xb8;
	[tilespmem:$0xC100] =	vst v63  }
0xff: {  	v3 =	vld [tilespmem:$0xE0];
	_ =	sdelay $0x4  }
0x100: {  	v62 =	vshrl.u32 v3, $0x3  }
0x101: {  	v4 =	vmul.u32 $0x18, v62  }
0x102: {  	v3 =	vand.u32 $0x7, v3  }
0x103: {  	v3 =	vor.u32 v3, v4  }
0x104: {  	v4 =	vperm.xlane v3, v0;
	_ =	sdelay $0x1  }
0x105: {  	v4 =	vadd.s32 v1, v4;
	_ =	sdelay $0x1  }
0x106: {  	v3 =	vperm.xlane v3, v2;
	_ =	sdelay $0x1  }
0x107: {  	v3 =	vadd.s32 v1, v3  }
0x108: {  	[hbm4b:s3+s2] =	stream.indirect_vreg.scatter [tilespmem:s7], [sflag:$0x2], $0x80, v4, vm0, $0xb8;
	[tilespmem:$0xC100] =	vst v63  }
0x109: {  	_ = 	snop  }
0x10a: {  	[hbm4b:s4+s2] =	stream.indirect_vreg.scatter [tilespmem:s15], [sflag:$0x2], $0x80, v4, vm1, $0xb8;
	[tilespmem:$0xC100] =	vst v63  }
0x10b: {  	s17 =	simm.s32 $0x9D00  }
0x10c: {  	[hbm4b:s3+s2] =	stream.indirect_vreg.scatter [tilespmem:s17], [sflag:$0x2], $0x80, v3, vm0, $0xb8;
	[tilespmem:$0xC100] =	vst v63  }
0x10d: {  	s16 =	simm.s32 $0xA500  }
0x10e: {  	[hbm4b:s4+s2] =	stream.indirect_vreg.scatter [tilespmem:s16], [sflag:$0x2], $0x80, v3, vm1, $0xb8;
	[tilespmem:$0xC100] =	vst v63  }
0x10f: {  	v3 =	vld [tilespmem:$0xF0];
	_ =	sdelay $0x4  }
0x110: {  	v63 =	vshrl.u32 v3, $0x3  }
0x111: {  	v4 =	vmul.u32 $0x18, v63  }
0x112: {  	v3 =	vand.u32 $0x7, v3  }
0x113: {  	v3 =	vor.u32 v3, v4  }
0x114: {  	v4 =	vperm.xlane v3, v0;
	_ =	sdelay $0x1  }
0x115: {  	v4 =	vadd.s32 v1, v4;
	_ =	sdelay $0x1  }
0x116: {  	v3 =	vperm.xlane v3, v2;
	_ =	sdelay $0x1  }
0x117: {  	s17 =	simm.s32 $0xA900;
	v3 =	vadd.s32 v1, v3  }
0x118: {  	[hbm4b:s3+s2] =	stream.indirect_vreg.scatter [tilespmem:s17], [sflag:$0x2], $0x80, v4, vm0, $0xb8;
	[tilespmem:$0xC100] =	vst v63  }
0x119: {  	s16 =	simm.s32 $0xB100  }
0x11a: {  	[hbm4b:s4+s2] =	stream.indirect_vreg.scatter [tilespmem:s16], [sflag:$0x2], $0x80, v4, vm1, $0xb8;
	[tilespmem:$0xC100] =	vst v63  }
0x11b: {  	s17 =	simm.s32 $0xB500  }
0x11c: {  	[hbm4b:s3+s2] =	stream.indirect_vreg.scatter [tilespmem:s17], [sflag:$0x2], $0x80, v3, vm0, $0xb8;
	[tilespmem:$0xC100] =	vst v63  }
0x11d: {  	s16 =	simm.s32 $0x1  }
0x11e: {  	[hbm4b:s4+s2] =	stream.indirect_vreg.scatter [tilespmem:s0], [sflag:$0x2], $0x80, v3, vm1, $0xb8;
	[tilespmem:$0xC100] =	vst v63  }
0x11f: {  	p0 =	sne.s32 s5, $0x1;
	_ =	swait.ge [sflag:s16], $0xC000  }
.Ltmp0:
0x120: {  	[sflag:s16] =	ssyncset.done $0x0;
	(pc) =	sbr.rel @p0 .LBB2_1-.Ltmp0, $4  }
0x121: {  	s17 =	simm.s32 $0x2;
	[sflag:s16] =	ssyncadd.s32 $0xFFFF4000  }
0x122: {  	_ =	swait.ge [sflag:s17], $0xC000  }
0x123: {  	[sflag:s17] =	ssyncset.done $0x0  }
0x124: {  	s5 =	sadd.s32 $0xFFFFFFFF, s5;
	[sflag:s17] =	ssyncadd.s32 $0xFFFF4000  }
0x125: {  	_ =	sfence.sel $0x180000  }
0x126: {  	[bflag:$0x0] =	sbarrier.arrive $0xFFFF  }
0x127: {  	_ =	strace $0x90000047  }
0x128: {  	s0 =	stileid.u32;
	[bflag:$0x2] =	sbarrier.arrive $0xFFFF  }
0x129: {  	p0 =	sne.s32 s0, $0x0;
	s0 =	rddreg [dreg:$0x2]  }
0x12a: {  	s0 =	sadd.s32 @!p0 $0x100000, s0  }
0x12b: {  	[sflag:s0] =	ssyncadd.tile.s32 @!p0 $0x1;
	_ =	shalt  }
.Lfunc_end2:
_tile_overlayer_lowered:
.L_overlay_start_2:
0x12c: {  	(tag) =	ssettag $0x2  }
0x12d: {  	s0 =	rddreg [dreg:$0x0];
	s2 =	stileid.u32  }
0x12e: {  	s1 =	rddreg [dreg:$0x1];
	p0 =	sne.s32 s2, $0x0  }
0x12f: {  	s3 =	rddreg [dreg:$0x2];
	[bflag:$0x3] =	sbarrier.arrive $0xFFFF;
	s2 =	simm.s32 @!p0 $0x1C03  }
0x130: {  	[timem:s3], [sflag:s2] =	dma.local @!p0 [hbm:s0], s1  }
0x131: {  	s0 =	simm.s32 @!p0 $0x3  }
0x132: {  	_ =	swait.ge @!p0 [sflag:s0], s1  }
0x133: {  	s1 =	ssub.s32 @!p0 $0x0, s1;
	[sflag:s0] =	ssyncset.done @!p0 $0x0  }
0x134: {  	[sflag:s0] =	ssyncadd.s32 @!p0 s1  }
0x135: {  	[bflag:$0x3] =	sbarrier.arrive $0xFFFF  }
0x136: {  	_ =	shalt  }

</sc_bundles>
